<compile_context>
chip_gen: v7x
topology: tpu7x:2x2x1
jax: 0.10.2.dev20260603
libtpu: 0.0.44.dev20260713+nightly
codegen_flags: <defaults>
</compile_context>

<pallas_src>
import functools

import jax
import jax.numpy as jnp
from jax import lax
from jax.experimental import pallas as pl
from jax.experimental.pallas import tpu as pltpu
from jax.experimental.pallas import tpu_sc as plsc

N, M, C = 5000, 1000, 36
NP = 5120
MP = 1024
TN = 512
GRID_A = NP // TN
RCH = 1024
NTILES = 32
PW = NP // NTILES
LPT = PW // 16
EPSV = 1e-7
CIOU_THR = 0.3
LOSS_MAX = 3.58


def _atan(t):
    u = jnp.abs(t)
    big = u > 2.414213562373095
    mid = u > 0.4142135623730951
    x = jnp.where(big, -1.0 / u, jnp.where(mid, (u - 1.0) / (u + 1.0), u))
    y0 = jnp.where(big, jnp.pi / 2, jnp.where(mid, jnp.pi / 4, 0.0))
    z = x * x
    p = (((8.05374449538e-2 * z - 1.38776856032e-1) * z + 1.99777106478e-1)
         * z - 3.33329491539e-1) * z * x + x
    return jnp.sign(t) * (y0 + p)


def _tc_main(x1c_ref, x1r_ref, x2c_ref, x2r_ref,
             px_ref, py_ref, pw_ref, ph_ref,
             tx_ref, ty_ref, tw_ref, th_ref, cl_ref,
             rank1_ref, rank2_ref, l1_ref, l2_ref,
             maskf_ref, matched_ref, lse_ref, logclp_ref):
    ti = pl.program_id(0)
    rows = ti * TN + lax.broadcasted_iota(jnp.int32, (TN, 1), 0)

    @pl.when(ti == 0)
    def _zero():
        l1_ref[...] = jnp.zeros((GRID_A, 1, TN), jnp.int32)
        l2_ref[...] = jnp.zeros((GRID_A, 1, TN), jnp.int32)

    def ranks(xc_ref, xr_ref, lref, racc_ref):
        xc = xc_ref[...]
        xd = xr_ref[pl.ds(ti, 1), 0:1, :].reshape(1, TN)
        jj = ti * TN + lax.broadcasted_iota(jnp.int32, (1, TN), 1)
        cmp = (xd < xc) | ((xd == xc) & (jj < rows))
        acc0 = jnp.sum(cmp.astype(jnp.int32), axis=1, keepdims=True)

        def body(tj, acc):
            xj = xr_ref[pl.ds(tj, 1), 0:1, :].reshape(1, TN)
            ones = jnp.where(xj < xc, 1, 0)
            acc = acc + jnp.sum(ones, axis=1, keepdims=True)
            csum = TN - jnp.sum(ones, axis=0, keepdims=True)
            lref[pl.ds(tj, 1), 0:1, :] = (lref[pl.ds(tj, 1), 0:1, :]
                                          + csum.reshape(1, 1, TN))
            return acc

        racc_ref[...] = lax.fori_loop(ti + 1, GRID_A, body, acc0)

    ranks(x1c_ref, x1r_ref, l1_ref, rank1_ref)
    ranks(x2c_ref, x2r_ref, l2_ref, rank2_ref)

    cp = jnp.maximum(cl_ref[...], 1e-12)
    logclp_ref[...] = jnp.log(cp)
    lse_ref[...] = jnp.log(jnp.sum(cp, axis=1, keepdims=True))

    px = px_ref[...]; py = py_ref[...]; pw = pw_ref[...]; ph = ph_ref[...]
    tx = tx_ref[...]; ty = ty_ref[...]; tw = tw_ref[...]; th = th_ref[...]
    b1x1 = px - pw * 0.5; b1x2 = px + pw * 0.5
    b1y1 = py - ph * 0.5; b1y2 = py + ph * 0.5
    b2x1 = tx - tw * 0.5; b2x2 = tx + tw * 0.5
    b2y1 = ty - th * 0.5; b2y2 = ty + th * 0.5
    iw = jnp.maximum(jnp.minimum(b1x2, b2x2) - jnp.maximum(b1x1, b2x1), 0.0)
    ih = jnp.maximum(jnp.minimum(b1y2, b2y2) - jnp.maximum(b1y1, b2y1), 0.0)
    inter = iw * ih
    union = pw * ph + tw * th - inter + EPSV
    iou = inter / union
    cw = jnp.maximum(b1x2, b2x2) - jnp.minimum(b1x1, b2x1)
    ch = jnp.maximum(b1y2, b2y2) - jnp.minimum(b1y1, b2y1)
    c2 = cw * cw + ch * ch + EPSV
    dx = tx - px; dy = ty - py
    rho2 = dx * dx + dy * dy
    at1 = _atan(pw / (ph + EPSV))
    at2 = _atan(tw / (th + EPSV))
    dat = at2 - at1
    v = (4.0 / (jnp.pi * jnp.pi)) * dat * dat
    alpha = v / (v - iou + (1.0 + EPSV))
    ciou = iou - (rho2 / c2 + v * alpha)

    colmask = lax.broadcasted_iota(jnp.int32, (1, MP), 1) < M
    cm = jnp.where(colmask, ciou, -3.0e38)
    best = jnp.max(cm, axis=1, keepdims=True)
    jidx = lax.broadcasted_iota(jnp.int32, (TN, MP), 1)
    matched_ref[...] = jnp.min(jnp.where(cm == best, jidx, MP), axis=1,
                               keepdims=True)
    maskf_ref[...] = ((best > CIOU_THR) & (rows < N)).astype(jnp.float32)


def _sc_body(rank1_h, lse_h, logclp_h, rank2_h, maskf_h, matched_h, labels_h,
             sums_h, cnts_h,
             rank1_v, lse_v, logclp_v, rank2f_v, perm2_v, maskf_v, matched_v,
             labels_v, sv, cv, sem):
    wid = lax.axis_index("s") * 2 + lax.axis_index("c")
    base = wid * PW
    copies = [
        pltpu.async_copy(rank1_h.at[pl.ds(base, PW)], rank1_v, sem),
        pltpu.async_copy(lse_h.at[pl.ds(base, PW)], lse_v, sem),
        pltpu.async_copy(logclp_h.at[pl.ds(base, PW)], logclp_v, sem),
        pltpu.async_copy(rank2_h, rank2f_v, sem),
        pltpu.async_copy(maskf_h, maskf_v, sem),
        pltpu.async_copy(matched_h, matched_v, sem),
        pltpu.async_copy(labels_h, labels_v, sem),
    ]
    for c in copies:
        c.wait()

    def inv(i, c):
        rv = rank2f_v[pl.ds(i * 16, 16)]
        jj = i * 16 + lax.iota(jnp.int32, 16)
        plsc.store_scatter(perm2_v, [rv], jj)
        return c

    lax.fori_loop(0, NP // 16, inv, 0)

    def body(i, carry):
        acc, cnt = carry
        r = rank1_v[pl.ds(i * 16, 16)]
        q = plsc.load_gather(perm2_v, [r])
        mq = plsc.load_gather(maskf_v, [q])
        t = plsc.load_gather(matched_v, [q])
        lbl = plsc.load_gather(labels_v, [t])
        row = i * 16 + lax.iota(jnp.int32, 16)
        picked = plsc.load_gather(logclp_v, [row, lbl])
        nll = lse_v[pl.ds(i * 16, 16)] - picked
        return acc + mq * nll, cnt + mq

    acc, cnt = lax.fori_loop(
        0, LPT, body,
        (jnp.zeros((16,), jnp.float32), jnp.zeros((16,), jnp.float32)))
    sv[...] = acc
    cv[...] = cnt
    pltpu.sync_copy(sv, sums_h.at[wid])
    pltpu.sync_copy(cv, cnts_h.at[wid])


def _sc_stage(rank1, lse, logclp, rank2, maskf, matched, labels):
    mesh = plsc.VectorSubcoreMesh(core_axis_name="c", subcore_axis_name="s")
    f32 = jnp.float32
    run = functools.partial(
        pl.kernel, _sc_body, mesh=mesh,
        compiler_params=pltpu.CompilerParams(needs_layout_passes=False),
        out_type=[jax.ShapeDtypeStruct((NTILES, 16), f32),
                  jax.ShapeDtypeStruct((NTILES, 16), f32)],
        scratch_types=[
            pltpu.VMEM((PW,), jnp.int32),
            pltpu.VMEM((PW,), f32),
            pltpu.VMEM((PW, C), f32),
            pltpu.VMEM((NP,), jnp.int32),
            pltpu.VMEM((NP,), jnp.int32),
            pltpu.VMEM((NP,), f32),
            pltpu.VMEM((NP,), jnp.int32),
            pltpu.VMEM((MP,), jnp.int32),
            pltpu.VMEM((16,), f32),
            pltpu.VMEM((16,), f32),
            pltpu.SemaphoreType.DMA,
        ])()
    return run(rank1, lse, logclp, rank2, maskf, matched, labels)


def kernel(pred_xywh, pred_xywhn, class_logits, true_xywhn, sorted_labels):
    f32 = jnp.float32
    inf_pad = jnp.full((NP - N,), jnp.inf, f32)
    x1 = jnp.concatenate([pred_xywh[:, 0], inf_pad])
    x2 = jnp.concatenate([pred_xywhn[:, 0], inf_pad])
    pb = jnp.pad(pred_xywhn, ((0, NP - N), (0, 0)))
    tb = jnp.pad(true_xywhn, ((0, MP - M), (0, 0)))
    cl = jnp.pad(class_logits[0], ((0, NP - N), (0, 0)))
    lab = jnp.pad(sorted_labels, (0, MP - M)).astype(jnp.int32)

    col = pl.BlockSpec((TN, 1), lambda i: (i, 0))
    row3 = pl.BlockSpec((GRID_A, 1, TN), lambda i: (0, 0, 0))
    trow = pl.BlockSpec((1, MP), lambda i: (0, 0))
    clb = pl.BlockSpec((TN, C), lambda i: (i, 0))
    i32 = jnp.int32
    rank1c, rank2c, l1, l2, maskf, matched, lse, logclp = pl.pallas_call(
        _tc_main,
        grid=(GRID_A,),
        in_specs=[col, row3, col, row3,
                  col, col, col, col,
                  trow, trow, trow, trow, clb],
        out_specs=[col, col, row3, row3, col, col, col, clb],
        out_shape=[jax.ShapeDtypeStruct((NP, 1), i32),
                   jax.ShapeDtypeStruct((NP, 1), i32),
                   jax.ShapeDtypeStruct((GRID_A, 1, TN), i32),
                   jax.ShapeDtypeStruct((GRID_A, 1, TN), i32),
                   jax.ShapeDtypeStruct((NP, 1), f32),
                   jax.ShapeDtypeStruct((NP, 1), i32),
                   jax.ShapeDtypeStruct((NP, 1), f32),
                   jax.ShapeDtypeStruct((NP, C), f32)],
    )(x1.reshape(NP, 1), x1.reshape(GRID_A, 1, TN), x2.reshape(NP, 1),
      x2.reshape(GRID_A, 1, TN),
      pb[:, 0:1], pb[:, 1:2], pb[:, 2:3], pb[:, 3:4],
      tb[:, 0].reshape(1, MP), tb[:, 1].reshape(1, MP),
      tb[:, 2].reshape(1, MP), tb[:, 3].reshape(1, MP), cl)

    rank1 = rank1c.reshape(NP) + l1.reshape(NP)
    rank2 = rank2c.reshape(NP) + l2.reshape(NP)
    sums, cnts = _sc_stage(rank1, lse.reshape(NP), logclp,
                           rank2, maskf.reshape(NP),
                           matched.reshape(NP), lab)
    s = jnp.sum(sums)
    n = jnp.sum(cnts)
    ce = s / jnp.maximum(n, 1.0)
    return jnp.where(n > 0, jnp.minimum(ce / LOSS_MAX, 1.0), 0.0)

# --- scband reference (transcript-rebuilt; emitter-appended) ---
"""Pipeline reference for scband-celoss-31396210934079 (READ-ONLY COPY).

The authoritative reference and input builder live on the scoring server;
editing this copy changes nothing except your own understanding.
"""

import jax, jax.numpy as jnp
import numpy as np

EPS = 1e-07

def _ciou_matrix(b1, b2, eps=1e-7):
    # b1: [N,4] xywh, b2: [M,4] xywh -> CIoU matrix [N,M]
    x1 = b1[:, 0:1]; y1 = b1[:, 1:2]; w1 = b1[:, 2:3]; h1 = b1[:, 3:4]
    x2 = b2[None, :, 0]; y2 = b2[None, :, 1]; w2 = b2[None, :, 2]; h2 = b2[None, :, 3]
    b1x1 = x1 - w1 / 2; b1x2 = x1 + w1 / 2; b1y1 = y1 - h1 / 2; b1y2 = y1 + h1 / 2
    b2x1 = x2 - w2 / 2; b2x2 = x2 + w2 / 2; b2y1 = y2 - h2 / 2; b2y2 = y2 + h2 / 2
    inter = jnp.clip(jnp.minimum(b1x2, b2x2) - jnp.maximum(b1x1, b2x1), 0.0, None) * \
            jnp.clip(jnp.minimum(b1y2, b2y2) - jnp.maximum(b1y1, b2y1), 0.0, None)
    union = w1 * h1 + w2 * h2 - inter + eps
    iou = inter / union
    cw = jnp.maximum(b1x2, b2x2) - jnp.minimum(b1x1, b2x1)
    ch = jnp.maximum(b1y2, b2y2) - jnp.minimum(b1y1, b2y1)
    c2 = cw ** 2 + ch ** 2 + eps
    rho2 = ((b2x1 + b2x2 - b1x1 - b1x2) ** 2 + (b2y1 + b2y2 - b1y1 - b1y2) ** 2) / 4.0
    v = (4.0 / np.pi ** 2) * (jnp.arctan(w2 / (h2 + eps)) - jnp.arctan(w1 / (h1 + eps))) ** 2
    alpha = v / (v - iou + (1.0 + eps))
    return iou - (rho2 / c2 + v * alpha)

def setup_inputs(seed: int = 0) -> dict:
    key = jax.random.key(seed)
    k1, k2, k3, k4, k5 = jax.random.split(key, 5)
    N, M, C = 5000, 1000, 36
    pred_xywh = jax.random.uniform(k1, (N, 4), dtype=jnp.float32)
    pred_xywhn = jax.random.uniform(k2, (N, 4), dtype=jnp.float32)
    class_logits = jax.random.uniform(k3, (1, N, C), dtype=jnp.float32)
    true_xywhn = jax.random.uniform(k4, (M, 4), dtype=jnp.float32)
    sorted_labels = jax.random.randint(k5, (M,), 0, C, dtype=jnp.int32)
    return {"pred_xywh": pred_xywh, "pred_xywhn": pred_xywhn, "class_logits": class_logits,
            "true_xywhn": true_xywhn, "sorted_labels": sorted_labels}

def reference(pred_xywh, pred_xywhn, class_logits, true_xywhn, sorted_labels):
    ciou_threshold = 0.3
    loss_cls_max = 3.58
    # sort_class_log_prob: sort logits by pred x-center, then log(clamp(p, 1e-12))
    order_logits = jnp.argsort(pred_xywh[:, 0])
    sorted_clp = jnp.log(jnp.clip(class_logits[0][order_logits], 1e-12, None))
    # sort_bbox: sort normalized pred boxes by x coordinate
    order_boxes = jnp.argsort(pred_xywhn[:, 0])
    sorted_pred = pred_xywhn[order_boxes]
    # select_indices_target_boxes: per-pred best CIoU match against true boxes
    ciou = _ciou_matrix(sorted_pred, true_xywhn, eps=1e-7)
    best_ciou = jnp.max(ciou, axis=1)
    matched_idx = jnp.argmax(ciou, axis=1)
    mask = best_ciou > ciou_threshold
    # find_corresponding_correct_label + select_relevant_log_prob (masked fixed-shape form)
    mapped_labels = sorted_labels[matched_idx]
    lse = jax.scipy.special.logsumexp(sorted_clp, axis=1)
    picked = jnp.take_along_axis(sorted_clp, mapped_labels[:, None].astype(jnp.int32), axis=1)[:, 0]
    nll = lse - picked  # cross-entropy with sorted_clp acting as logits (as in torch CE)
    n_matched = jnp.sum(mask)
    ce = jnp.sum(jnp.where(mask, nll, 0.0)) / jnp.maximum(n_matched, 1)
    loss = jnp.where(n_matched > 0, jnp.minimum(ce / loss_cls_max, 1.0), 0.0)
    return loss

if __name__ == "__main__":
    import jax
    _d = setup_inputs()
    print(jax.jit(kernel)(*tuple(_d.values())))

</pallas_src>

<mosaic_0001>
#map = affine_map<(d0, d1) -> (0)>
#map1 = affine_map<(d0, d1) -> (0, 0)>
module attributes {stable_mosaic.version = 14 : i64} {
  func.func @_sc_body(%arg0: i32, %arg1: i32, %arg2: memref<5120xi32, #tpu.memory_space<hbm>>, %arg3: memref<5120xf32, #tpu.memory_space<hbm>>, %arg4: memref<5120x36xf32, #tpu.memory_space<hbm>>, %arg5: memref<5120xi32, #tpu.memory_space<hbm>>, %arg6: memref<5120xf32, #tpu.memory_space<hbm>>, %arg7: memref<5120xi32, #tpu.memory_space<hbm>>, %arg8: memref<1024xi32, #tpu.memory_space<hbm>>, %arg9: memref<32x16xf32, #tpu.memory_space<hbm>>, %arg10: memref<32x16xf32, #tpu.memory_space<hbm>>, %arg11: memref<160xi32, #tpu.memory_space<vmem>>, %arg12: memref<160xf32, #tpu.memory_space<vmem>>, %arg13: memref<160x36xf32, #tpu.memory_space<vmem>>, %arg14: memref<5120xi32, #tpu.memory_space<vmem>>, %arg15: memref<5120xi32, #tpu.memory_space<vmem>>, %arg16: memref<5120xf32, #tpu.memory_space<vmem>>, %arg17: memref<5120xi32, #tpu.memory_space<vmem>>, %arg18: memref<1024xi32, #tpu.memory_space<vmem>>, %arg19: memref<16xf32, #tpu.memory_space<vmem>>, %arg20: memref<16xf32, #tpu.memory_space<vmem>>, %arg21: memref<!tpu.dma_semaphore, #tpu.memory_space<semaphore_mem>>) attributes {dimension_semantics = [#tpu.dimension_semantics<core_parallel>, #tpu.dimension_semantics<subcore_parallel>], iteration_bounds = array<i64: 2, 16>, scalar_prefetch = 0 : i64, scratch_operands = 11 : i64, tpu.core_type = #tpu.core_type<sc_vector_subcore>, window_params = [{transform_indices = #map}, {transform_indices = #map}, {transform_indices = #map1}, {transform_indices = #map}, {transform_indices = #map}, {transform_indices = #map}, {transform_indices = #map}, {transform_indices = #map1}, {transform_indices = #map1}]} {
    %mul3A = arith.constant 2 : i32
    %mul3A_0 = arith.muli %arg1, %mul3A : i32
    %add3A = arith.addi %mul3A_0, %arg0 : i32
    %mul3A_1 = arith.constant 160 : i32
    %mul3A_2 = arith.muli %add3A, %mul3A_1 : i32
    %dma_start3A = tpu.memref_slice %arg2[%mul3A_2] : memref<5120xi32, #tpu.memory_space<hbm>> -> memref<160xi32, #tpu.memory_space<hbm>>
    %dma_start3A_3 = tpu.memref_slice %arg2[%mul3A_2] : memref<5120xi32, #tpu.memory_space<hbm>> -> memref<160xi32, #tpu.memory_space<hbm>>
    tpu.enqueue_dma source(%dma_start3A_3 : memref<160xi32, #tpu.memory_space<hbm>>) target(%arg11 : memref<160xi32, #tpu.memory_space<vmem>>) target_semaphore(%arg21 : memref<!tpu.dma_semaphore, #tpu.memory_space<semaphore_mem>>)
    %dma_start3A_4 = tpu.memref_slice %arg3[%mul3A_2] : memref<5120xf32, #tpu.memory_space<hbm>> -> memref<160xf32, #tpu.memory_space<hbm>>
    %dma_start3A_5 = tpu.memref_slice %arg3[%mul3A_2] : memref<5120xf32, #tpu.memory_space<hbm>> -> memref<160xf32, #tpu.memory_space<hbm>>
    tpu.enqueue_dma source(%dma_start3A_5 : memref<160xf32, #tpu.memory_space<hbm>>) target(%arg12 : memref<160xf32, #tpu.memory_space<vmem>>) target_semaphore(%arg21 : memref<!tpu.dma_semaphore, #tpu.memory_space<semaphore_mem>>)
    %dma_start3A_6 = arith.constant 0 : i32
    %dma_start3A_7 = tpu.memref_slice %arg4[%mul3A_2, %dma_start3A_6] : memref<5120x36xf32, #tpu.memory_space<hbm>> -> memref<160x36xf32, #tpu.memory_space<hbm>>
    %dma_start3A_8 = arith.constant 0 : i32
    %dma_start3A_9 = tpu.memref_slice %arg4[%mul3A_2, %dma_start3A_8] : memref<5120x36xf32, #tpu.memory_space<hbm>> -> memref<160x36xf32, #tpu.memory_space<hbm>>
    tpu.enqueue_dma source(%dma_start3A_9 : memref<160x36xf32, #tpu.memory_space<hbm>>) target(%arg13 : memref<160x36xf32, #tpu.memory_space<vmem>>) target_semaphore(%arg21 : memref<!tpu.dma_semaphore, #tpu.memory_space<semaphore_mem>>)
    tpu.enqueue_dma source(%arg5 : memref<5120xi32, #tpu.memory_space<hbm>>) target(%arg14 : memref<5120xi32, #tpu.memory_space<vmem>>) target_semaphore(%arg21 : memref<!tpu.dma_semaphore, #tpu.memory_space<semaphore_mem>>)
    tpu.enqueue_dma source(%arg6 : memref<5120xf32, #tpu.memory_space<hbm>>) target(%arg16 : memref<5120xf32, #tpu.memory_space<vmem>>) target_semaphore(%arg21 : memref<!tpu.dma_semaphore, #tpu.memory_space<semaphore_mem>>)
    tpu.enqueue_dma source(%arg7 : memref<5120xi32, #tpu.memory_space<hbm>>) target(%arg17 : memref<5120xi32, #tpu.memory_space<vmem>>) target_semaphore(%arg21 : memref<!tpu.dma_semaphore, #tpu.memory_space<semaphore_mem>>)
    tpu.enqueue_dma source(%arg8 : memref<1024xi32, #tpu.memory_space<hbm>>) target(%arg18 : memref<1024xi32, #tpu.memory_space<vmem>>) target_semaphore(%arg21 : memref<!tpu.dma_semaphore, #tpu.memory_space<semaphore_mem>>)
    %dma_wait3A = tpu.memref_slice %arg2[%mul3A_2] : memref<5120xi32, #tpu.memory_space<hbm>> -> memref<160xi32, #tpu.memory_space<hbm>>
    %dma_wait3A_10 = tpu.memref_slice %arg2[%mul3A_2] : memref<5120xi32, #tpu.memory_space<hbm>> -> memref<160xi32, #tpu.memory_space<hbm>>
    tpu.wait_dma2 semaphore(%arg21 : memref<!tpu.dma_semaphore, #tpu.memory_space<semaphore_mem>>) src(%dma_wait3A_10 : memref<160xi32, #tpu.memory_space<hbm>>) dst(%arg11 : memref<160xi32, #tpu.memory_space<vmem>>)
    %dma_wait3A_11 = tpu.memref_slice %arg3[%mul3A_2] : memref<5120xf32, #tpu.memory_space<hbm>> -> memref<160xf32, #tpu.memory_space<hbm>>
    %dma_wait3A_12 = tpu.memref_slice %arg3[%mul3A_2] : memref<5120xf32, #tpu.memory_space<hbm>> -> memref<160xf32, #tpu.memory_space<hbm>>
    tpu.wait_dma2 semaphore(%arg21 : memref<!tpu.dma_semaphore, #tpu.memory_space<semaphore_mem>>) src(%dma_wait3A_12 : memref<160xf32, #tpu.memory_space<hbm>>) dst(%arg12 : memref<160xf32, #tpu.memory_space<vmem>>)
    %dma_wait3A_13 = arith.constant 0 : i32
    %dma_wait3A_14 = tpu.memref_slice %arg4[%mul3A_2, %dma_wait3A_13] : memref<5120x36xf32, #tpu.memory_space<hbm>> -> memref<160x36xf32, #tpu.memory_space<hbm>>
    %dma_wait3A_15 = arith.constant 0 : i32
    %dma_wait3A_16 = tpu.memref_slice %arg4[%mul3A_2, %dma_wait3A_15] : memref<5120x36xf32, #tpu.memory_space<hbm>> -> memref<160x36xf32, #tpu.memory_space<hbm>>
    tpu.wait_dma2 semaphore(%arg21 : memref<!tpu.dma_semaphore, #tpu.memory_space<semaphore_mem>>) src(%dma_wait3A_16 : memref<160x36xf32, #tpu.memory_space<hbm>>) dst(%arg13 : memref<160x36xf32, #tpu.memory_space<vmem>>)
    tpu.wait_dma2 semaphore(%arg21 : memref<!tpu.dma_semaphore, #tpu.memory_space<semaphore_mem>>) src(%arg5 : memref<5120xi32, #tpu.memory_space<hbm>>) dst(%arg14 : memref<5120xi32, #tpu.memory_space<vmem>>)
    tpu.wait_dma2 semaphore(%arg21 : memref<!tpu.dma_semaphore, #tpu.memory_space<semaphore_mem>>) src(%arg6 : memref<5120xf32, #tpu.memory_space<hbm>>) dst(%arg16 : memref<5120xf32, #tpu.memory_space<vmem>>)
    tpu.wait_dma2 semaphore(%arg21 : memref<!tpu.dma_semaphore, #tpu.memory_space<semaphore_mem>>) src(%arg7 : memref<5120xi32, #tpu.memory_space<hbm>>) dst(%arg17 : memref<5120xi32, #tpu.memory_space<vmem>>)
    tpu.wait_dma2 semaphore(%arg21 : memref<!tpu.dma_semaphore, #tpu.memory_space<semaphore_mem>>) src(%arg8 : memref<1024xi32, #tpu.memory_space<hbm>>) dst(%arg18 : memref<1024xi32, #tpu.memory_space<vmem>>)
    %scan3A = arith.constant 0 : i32
    %scan3A_17 = arith.constant 0 : i32
    %scan3A_18 = arith.constant 320 : i32
    %scan3A_19 = arith.addi %scan3A_17, %scan3A_18 : i32
    %scan3A_20 = arith.constant 1 : i32
    scf.for %scan3A_34 = %scan3A_17 to %scan3A_19 step %scan3A_20  : i32 {
      %mul3A_35 = arith.constant 16 : i32
      %mul3A_36 = arith.muli %scan3A_34, %mul3A_35 : i32
      %get3A = arith.index_cast %mul3A_36 : i32 to index
      %get3A_37 = tpu.vector_load %arg14[%get3A] {strides = array<i32>} : memref<5120xi32, #tpu.memory_space<vmem>>, vector<16xi32>,
      %mul3A_38 = arith.constant 16 : i32
      %mul3A_39 = arith.muli %scan3A_34, %mul3A_38 : i32
      %iota3A = tpu.iota {dimensions = array<i32: 0>} : vector<16xi32>
      %add3A_40 = vector.broadcast %mul3A_39 : i32 to vector<16xi32>
      %add3A_41 = arith.addi %add3A_40, %iota3A : vector<16xi32>
      tpu.vector_store_idx %arg15[%get3A_37], %add3A_41 : memref<5120xi32, #tpu.memory_space<vmem>>[vector<16xi32>], vector<16xi32>,
    }
    %scan3A_21 = arith.constant 320 : i32
    %broadcast_in_dim3A = arith.constant 0.000000e+00 : f32
    %broadcast_in_dim3A_22 = vector.broadcast %broadcast_in_dim3A : f32 to vector<16xf32>
    %broadcast_in_dim3A_23 = arith.constant 0.000000e+00 : f32
    %broadcast_in_dim3A_24 = vector.broadcast %broadcast_in_dim3A_23 : f32 to vector<16xf32>
    %scan3A_25 = arith.constant 0 : i32
    %scan3A_26 = arith.constant 10 : i32
    %scan3A_27 = arith.addi %scan3A_25, %scan3A_26 : i32
    %scan3A_28 = arith.constant 1 : i32
    %scan3A_29:2 = scf.for %scan3A_34 = %scan3A_25 to %scan3A_27 step %scan3A_28 iter_args(%scan3A_35 = %broadcast_in_dim3A_22, %scan3A_36 = %broadcast_in_dim3A_24) -> (vector<16xf32>, vector<16xf32>)  : i32 {
      %mul3A_37 = arith.constant 16 : i32
      %mul3A_38 = arith.muli %scan3A_34, %mul3A_37 : i32
      %get3A = arith.index_cast %mul3A_38 : i32 to index
      %get3A_39 = tpu.vector_load %arg11[%get3A] {strides = array<i32>} : memref<160xi32, #tpu.memory_space<vmem>>, vector<16xi32>,
      %gather3A = tpu.vector_load_idx %arg15[%get3A_39] : memref<5120xi32, #tpu.memory_space<vmem>>[vector<16xi32>], vector<16xi32>,
      %gather3A_40 = tpu.vector_load_idx %arg16[%gather3A] : memref<5120xf32, #tpu.memory_space<vmem>>[vector<16xi32>], vector<16xf32>,
      %gather3A_41 = tpu.vector_load_idx %arg17[%gather3A] : memref<5120xi32, #tpu.memory_space<vmem>>[vector<16xi32>], vector<16xi32>,
      %gather3A_42 = tpu.vector_load_idx %arg18[%gather3A_41] : memref<1024xi32, #tpu.memory_space<vmem>>[vector<16xi32>], vector<16xi32>,
      %mul3A_43 = arith.constant 16 : i32
      %mul3A_44 = arith.muli %scan3A_34, %mul3A_43 : i32
      %iota3A = tpu.iota {dimensions = array<i32: 0>} : vector<16xi32>
      %add3A_45 = vector.broadcast %mul3A_44 : i32 to vector<16xi32>
      %add3A_46 = arith.addi %add3A_45, %iota3A : vector<16xi32>
      %gather3A_47 = tpu.vector_load_idx %arg13[%add3A_46, %gather3A_42] : memref<160x36xf32, #tpu.memory_space<vmem>>[vector<16xi32>, vector<16xi32>], vector<16xf32>,
      %mul3A_48 = arith.constant 16 : i32
      %mul3A_49 = arith.muli %scan3A_34, %mul3A_48 : i32
      %get3A_50 = arith.index_cast %mul3A_49 : i32 to index
      %get3A_51 = tpu.vector_load %arg12[%get3A_50] {strides = array<i32>} : memref<160xf32, #tpu.memory_space<vmem>>, vector<16xf32>,
      %sub3A = arith.subf %get3A_51, %gather3A_47 : vector<16xf32>
      %mul3A_52 = arith.mulf %gather3A_40, %sub3A : vector<16xf32>
      %add3A_53 = arith.addf %scan3A_35, %mul3A_52 : vector<16xf32>
      %add3A_54 = arith.addf %scan3A_36, %gather3A_40 : vector<16xf32>
      scf.yield %add3A_53, %add3A_54 : vector<16xf32>, vector<16xf32>
    }
    %scan3A_30 = arith.constant 10 : i32
    %swap3A = arith.constant 0 : index
    %swap3A_31 = tpu.vector_load %arg19[%swap3A] {strides = array<i32>} : memref<16xf32, #tpu.memory_space<vmem>>, vector<16xf32>,
    tpu.vector_store %arg19[%swap3A], %scan3A_29#0 {strides = array<i32>} : memref<16xf32, #tpu.memory_space<vmem>>, vector<16xf32>,
    %swap3A_32 = arith.constant 0 : index
    %swap3A_33 = tpu.vector_load %arg20[%swap3A_32] {strides = array<i32>} : memref<16xf32, #tpu.memory_space<vmem>>, vector<16xf32>,
    tpu.vector_store %arg20[%swap3A_32], %scan3A_29#1 {strides = array<i32>} : memref<16xf32, #tpu.memory_space<vmem>>, vector<16xf32>,
    "tpu.region"() ({
      %run_scoped3A = tpu.sem_alloc : memref<!tpu.dma_semaphore, #tpu.memory_space<semaphore_mem>>
      %dma_start3A_34 = arith.constant 0 : i32
      %dma_start3A_35 = tpu.memref_slice %arg9[%add3A, %dma_start3A_34] : memref<32x16xf32, #tpu.memory_space<hbm>> -> memref<1x16xf32, #tpu.memory_space<hbm>>
      %dma_start3A_36 = tpu.memref_squeeze %dma_start3A_35 : memref<1x16xf32, #tpu.memory_space<hbm>> -> memref<16xf32, #tpu.memory_space<hbm>>
      %dma_start3A_37 = arith.constant 0 : i32
      %dma_start3A_38 = tpu.memref_slice %arg9[%add3A, %dma_start3A_37] : memref<32x16xf32, #tpu.memory_space<hbm>> -> memref<1x16xf32, #tpu.memory_space<hbm>>
      %dma_start3A_39 = tpu.memref_squeeze %dma_start3A_38 : memref<1x16xf32, #tpu.memory_space<hbm>> -> memref<16xf32, #tpu.memory_space<hbm>>
      tpu.enqueue_dma source(%arg19 : memref<16xf32, #tpu.memory_space<vmem>>) target(%dma_start3A_39 : memref<16xf32, #tpu.memory_space<hbm>>) target_semaphore(%run_scoped3A : memref<!tpu.dma_semaphore, #tpu.memory_space<semaphore_mem>>)
      %dma_wait3A_40 = arith.constant 0 : i32
      %dma_wait3A_41 = tpu.memref_slice %arg9[%add3A, %dma_wait3A_40] : memref<32x16xf32, #tpu.memory_space<hbm>> -> memref<1x16xf32, #tpu.memory_space<hbm>>
      %dma_wait3A_42 = tpu.memref_squeeze %dma_wait3A_41 : memref<1x16xf32, #tpu.memory_space<hbm>> -> memref<16xf32, #tpu.memory_space<hbm>>
      %dma_wait3A_43 = arith.constant 0 : i32
      %dma_wait3A_44 = tpu.memref_slice %arg9[%add3A, %dma_wait3A_43] : memref<32x16xf32, #tpu.memory_space<hbm>> -> memref<1x16xf32, #tpu.memory_space<hbm>>
      %dma_wait3A_45 = tpu.memref_squeeze %dma_wait3A_44 : memref<1x16xf32, #tpu.memory_space<hbm>> -> memref<16xf32, #tpu.memory_space<hbm>>
      tpu.wait_dma2 semaphore(%run_scoped3A : memref<!tpu.dma_semaphore, #tpu.memory_space<semaphore_mem>>) src(%arg19 : memref<16xf32, #tpu.memory_space<vmem>>) dst(%dma_wait3A_45 : memref<16xf32, #tpu.memory_space<hbm>>)
      tpu.yield
    }) : () -> ()
    "tpu.region"() ({
      %run_scoped3A = tpu.sem_alloc : memref<!tpu.dma_semaphore, #tpu.memory_space<semaphore_mem>>
      %dma_start3A_34 = arith.constant 0 : i32
      %dma_start3A_35 = tpu.memref_slice %arg10[%add3A, %dma_start3A_34] : memref<32x16xf32, #tpu.memory_space<hbm>> -> memref<1x16xf32, #tpu.memory_space<hbm>>
      %dma_start3A_36 = tpu.memref_squeeze %dma_start3A_35 : memref<1x16xf32, #tpu.memory_space<hbm>> -> memref<16xf32, #tpu.memory_space<hbm>>
      %dma_start3A_37 = arith.constant 0 : i32
      %dma_start3A_38 = tpu.memref_slice %arg10[%add3A, %dma_start3A_37] : memref<32x16xf32, #tpu.memory_space<hbm>> -> memref<1x16xf32, #tpu.memory_space<hbm>>
      %dma_start3A_39 = tpu.memref_squeeze %dma_start3A_38 : memref<1x16xf32, #tpu.memory_space<hbm>> -> memref<16xf32, #tpu.memory_space<hbm>>
      tpu.enqueue_dma source(%arg20 : memref<16xf32, #tpu.memory_space<vmem>>) target(%dma_start3A_39 : memref<16xf32, #tpu.memory_space<hbm>>) target_semaphore(%run_scoped3A : memref<!tpu.dma_semaphore, #tpu.memory_space<semaphore_mem>>)
      %dma_wait3A_40 = arith.constant 0 : i32
      %dma_wait3A_41 = tpu.memref_slice %arg10[%add3A, %dma_wait3A_40] : memref<32x16xf32, #tpu.memory_space<hbm>> -> memref<1x16xf32, #tpu.memory_space<hbm>>
      %dma_wait3A_42 = tpu.memref_squeeze %dma_wait3A_41 : memref<1x16xf32, #tpu.memory_space<hbm>> -> memref<16xf32, #tpu.memory_space<hbm>>
      %dma_wait3A_43 = arith.constant 0 : i32
      %dma_wait3A_44 = tpu.memref_slice %arg10[%add3A, %dma_wait3A_43] : memref<32x16xf32, #tpu.memory_space<hbm>> -> memref<1x16xf32, #tpu.memory_space<hbm>>
      %dma_wait3A_45 = tpu.memref_squeeze %dma_wait3A_44 : memref<1x16xf32, #tpu.memory_space<hbm>> -> memref<16xf32, #tpu.memory_space<hbm>>
      tpu.wait_dma2 semaphore(%run_scoped3A : memref<!tpu.dma_semaphore, #tpu.memory_space<semaphore_mem>>) src(%arg20 : memref<16xf32, #tpu.memory_space<vmem>>) dst(%dma_wait3A_45 : memref<16xf32, #tpu.memory_space<hbm>>)
      tpu.yield
    }) : () -> ()
    return
  }
}

module attributes {stable_mosaic.version = 14 : i64} {
  func.func @_tc_main(%arg0: i32, %arg1: memref<512x1xf32, #tpu.memory_space<vmem>>, %arg2: memref<10x1x512xf32, #tpu.memory_space<vmem>>, %arg3: memref<512x1xf32, #tpu.memory_space<vmem>>, %arg4: memref<10x1x512xf32, #tpu.memory_space<vmem>>, %arg5: memref<512x1xf32, #tpu.memory_space<vmem>>, %arg6: memref<512x1xf32, #tpu.memory_space<vmem>>, %arg7: memref<512x1xf32, #tpu.memory_space<vmem>>, %arg8: memref<512x1xf32, #tpu.memory_space<vmem>>, %arg9: memref<1x1024xf32, #tpu.memory_space<vmem>>, %arg10: memref<1x1024xf32, #tpu.memory_space<vmem>>, %arg11: memref<1x1024xf32, #tpu.memory_space<vmem>>, %arg12: memref<1x1024xf32, #tpu.memory_space<vmem>>, %arg13: memref<512x36xf32, #tpu.memory_space<vmem>>, %arg14: memref<512x1xi32, #tpu.memory_space<vmem>>, %arg15: memref<512x1xi32, #tpu.memory_space<vmem>>, %arg16: memref<10x1x512xi32, #tpu.memory_space<vmem>>, %arg17: memref<10x1x512xi32, #tpu.memory_space<vmem>>, %arg18: memref<512x1xf32, #tpu.memory_space<vmem>>, %arg19: memref<512x1xi32, #tpu.memory_space<vmem>>, %arg20: memref<512x1xf32, #tpu.memory_space<vmem>>, %arg21: memref<512x36xf32, #tpu.memory_space<vmem>>) attributes {dimension_semantics = [#tpu.dimension_semantics<arbitrary>], iteration_bounds = array<i64: 10>, scalar_prefetch = 0 : i64, scratch_operands = 0 : i64, tpu.core_type = #tpu.core_type<tc>, window_params = [{transform_indices = @transform_0, window_bounds = array<i64: 512, 1>}, {pipeline_mode = #tpu.pipeline_mode<synchronous>, transform_indices = @transform_1, window_bounds = array<i64: 10, 1, 512>}, {transform_indices = @transform_2, window_bounds = array<i64: 512, 1>}, {pipeline_mode = #tpu.pipeline_mode<synchronous>, transform_indices = @transform_3, window_bounds = array<i64: 10, 1, 512>}, {transform_indices = @transform_4, window_bounds = array<i64: 512, 1>}, {transform_indices = @transform_5, window_bounds = array<i64: 512, 1>}, {transform_indices = @transform_6, window_bounds = array<i64: 512, 1>}, {transform_indices = @transform_7, window_bounds = array<i64: 512, 1>}, {pipeline_mode = #tpu.pipeline_mode<synchronous>, transform_indices = @transform_8, window_bounds = array<i64: 1, 1024>}, {pipeline_mode = #tpu.pipeline_mode<synchronous>, transform_indices = @transform_9, window_bounds = array<i64: 1, 1024>}, {pipeline_mode = #tpu.pipeline_mode<synchronous>, transform_indices = @transform_10, window_bounds = array<i64: 1, 1024>}, {pipeline_mode = #tpu.pipeline_mode<synchronous>, transform_indices = @transform_11, window_bounds = array<i64: 1, 1024>}, {transform_indices = @transform_12, window_bounds = array<i64: 512, 36>}, {transform_indices = @transform_13, window_bounds = array<i64: 512, 1>}, {transform_indices = @transform_14, window_bounds = array<i64: 512, 1>}, {pipeline_mode = #tpu.pipeline_mode<synchronous>, transform_indices = @transform_15, window_bounds = array<i64: 10, 1, 512>}, {pipeline_mode = #tpu.pipeline_mode<synchronous>, transform_indices = @transform_16, window_bounds = array<i64: 10, 1, 512>}, {transform_indices = @transform_17, window_bounds = array<i64: 512, 1>}, {transform_indices = @transform_18, window_bounds = array<i64: 512, 1>}, {transform_indices = @transform_19, window_bounds = array<i64: 512, 1>}, {transform_indices = @transform_20, window_bounds = array<i64: 512, 36>}]} {
    %mul3A = arith.constant 512 : i32
    %mul3A_0 = arith.muli %arg0, %mul3A : i32
    %iota3A = tpu.iota {dimensions = array<i32: 0>} : vector<512x1xi32>
    %add3A = vector.broadcast %mul3A_0 : i32 to vector<512x1xi32>
    %add3A_1 = arith.addi %add3A, %iota3A : vector<512x1xi32>
    %eq3A = arith.constant 0 : i32
    %eq3A_2 = arith.cmpi eq, %arg0, %eq3A : i32
    %convert_element_type3A = arith.extui %eq3A_2 : i1 to i32
    %cond3A = arith.constant 0 : i32
    %cond3A_3 = arith.cmpi ne, %convert_element_type3A, %cond3A : i32
    scf.if %cond3A_3 {
      %broadcast_in_dim3A_384 = arith.constant 0 : i32
      %broadcast_in_dim3A_385 = vector.broadcast %broadcast_in_dim3A_384 : i32 to vector<10x1x512xi32>
      %swap3A_386 = arith.constant 0 : index
      %swap3A_387 = arith.constant 0 : index
      %swap3A_388 = arith.constant 0 : index
      %swap3A_389 = vector.load %arg16[%swap3A_386, %swap3A_387, %swap3A_388] : memref<10x1x512xi32, #tpu.memory_space<vmem>>, vector<10x1x512xi32>
      tpu.vector_store %arg16[%swap3A_386, %swap3A_387, %swap3A_388], %broadcast_in_dim3A_385 {strides = array<i32>} : memref<10x1x512xi32, #tpu.memory_space<vmem>>, vector<10x1x512xi32>,
      %broadcast_in_dim3A_390 = arith.constant 0 : i32
      %broadcast_in_dim3A_391 = vector.broadcast %broadcast_in_dim3A_390 : i32 to vector<10x1x512xi32>
      %swap3A_392 = arith.constant 0 : index
      %swap3A_393 = arith.constant 0 : index
      %swap3A_394 = arith.constant 0 : index
      %swap3A_395 = vector.load %arg17[%swap3A_392, %swap3A_393, %swap3A_394] : memref<10x1x512xi32, #tpu.memory_space<vmem>>, vector<10x1x512xi32>
      tpu.vector_store %arg17[%swap3A_392, %swap3A_393, %swap3A_394], %broadcast_in_dim3A_391 {strides = array<i32>} : memref<10x1x512xi32, #tpu.memory_space<vmem>>, vector<10x1x512xi32>,
    } else {
    }
    %get3A = arith.constant 0 : index
    %get3A_4 = arith.constant 0 : index
    %get3A_5 = vector.load %arg1[%get3A, %get3A_4] : memref<512x1xf32, #tpu.memory_space<vmem>>, vector<512x1xf32>
    %get3A_6 = arith.index_cast %arg0 : i32 to index
    %get3A_7 = arith.constant 0 : index
    %get3A_8 = arith.constant 0 : index
    %get3A_9 = vector.load %arg2[%get3A_6, %get3A_7, %get3A_8] : memref<10x1x512xf32, #tpu.memory_space<vmem>>, vector<1x1x512xf32>
    %reshape3A = vector.shape_cast %get3A_9 : vector<1x1x512xf32> to vector<1x512xf32>
    %mul3A_10 = arith.constant 512 : i32
    %mul3A_11 = arith.muli %arg0, %mul3A_10 : i32
    %iota3A_12 = tpu.iota {dimensions = array<i32: 1>} : vector<1x512xi32>
    %add3A_13 = vector.broadcast %mul3A_11 : i32 to vector<1x512xi32>
    %add3A_14 = arith.addi %add3A_13, %iota3A_12 : vector<1x512xi32>
    %lt3A = vector.broadcast %reshape3A : vector<1x512xf32> to vector<512x512xf32>
    %lt3A_15 = vector.broadcast %get3A_5 : vector<512x1xf32> to vector<512x512xf32>
    %lt3A_16 = arith.cmpf olt, %lt3A, %lt3A_15 : vector<512x512xf32>
    %eq3A_17 = vector.broadcast %reshape3A : vector<1x512xf32> to vector<512x512xf32>
    %eq3A_18 = vector.broadcast %get3A_5 : vector<512x1xf32> to vector<512x512xf32>
    %eq3A_19 = arith.cmpf oeq, %eq3A_17, %eq3A_18 : vector<512x512xf32>
    %lt3A_20 = vector.broadcast %add3A_14 : vector<1x512xi32> to vector<512x512xi32>
    %lt3A_21 = vector.broadcast %add3A_1 : vector<512x1xi32> to vector<512x512xi32>
    %lt3A_22 = arith.cmpi slt, %lt3A_20, %lt3A_21 : vector<512x512xi32>
    %and3A = arith.andi %eq3A_19, %lt3A_22 : vector<512x512xi1>
    %or3A = arith.ori %lt3A_16, %and3A : vector<512x512xi1>
    %convert_element_type3A_23 = arith.extui %or3A : vector<512x512xi1> to vector<512x512xi32>
    %reduce_sum3A = arith.constant dense<0> : vector<512xi32>
    %reduce_sum3A_24 = vector.multi_reduction <add>, %convert_element_type3A_23, %reduce_sum3A [1] : vector<512x512xi32> to vector<512xi32>
    %broadcast_in_dim3A = vector.shape_cast %reduce_sum3A_24 : vector<512xi32> to vector<512x1xi32>
    %add3A_25 = arith.constant 1 : i32
    %add3A_26 = arith.addi %arg0, %add3A_25 : i32
    %while3A = arith.constant 10 : i32
    %while3A_27 = arith.subi %while3A, %add3A_26 : i32
    %while3A_28 = arith.addi %add3A_26, %while3A_27 : i32
    %while3A_29 = arith.constant 1 : i32
    %while3A_30 = arith.divsi %while3A_27, %while3A_29 : i32
    %while3A_31 = arith.muli %while3A_30, %while3A_29 : i32
    %while3A_32 = arith.addi %add3A_26, %while3A_31 : i32
    %while3A_33 = arith.constant 1 : i32
    %while3A_34 = scf.for %while3A_384 = %add3A_26 to %while3A_32 step %while3A_33 iter_args(%while3A_385 = %broadcast_in_dim3A) -> (vector<512x1xi32>)  : i32 {
      %get3A_386 = arith.index_cast %while3A_384 : i32 to index
      %get3A_387 = arith.constant 0 : index
      %get3A_388 = arith.constant 0 : index
      %get3A_389 = vector.load %arg2[%get3A_386, %get3A_387, %get3A_388] : memref<10x1x512xf32, #tpu.memory_space<vmem>>, vector<1x1x512xf32>
      %reshape3A_390 = vector.shape_cast %get3A_389 : vector<1x1x512xf32> to vector<1x512xf32>
      %lt3A_391 = vector.broadcast %reshape3A_390 : vector<1x512xf32> to vector<512x512xf32>
      %lt3A_392 = vector.broadcast %get3A_5 : vector<512x1xf32> to vector<512x512xf32>
      %lt3A_393 = arith.cmpf olt, %lt3A_391, %lt3A_392 : vector<512x512xf32>
      %jit3A_394 = arith.constant 1 : i32
      %jit3A_395 = arith.constant 0 : i32
      %broadcast_in_dim3A_396 = vector.broadcast %jit3A_394 : i32 to vector<512x512xi32>
      %broadcast_in_dim3A_397 = vector.broadcast %jit3A_395 : i32 to vector<512x512xi32>
      %select_n3A_398 = arith.select %lt3A_393, %broadcast_in_dim3A_396, %broadcast_in_dim3A_397 : vector<512x512xi1>, vector<512x512xi32>
      %reduce_sum3A_399 = arith.constant dense<0> : vector<512xi32>
      %reduce_sum3A_400 = vector.multi_reduction <add>, %select_n3A_398, %reduce_sum3A_399 [1] : vector<512x512xi32> to vector<512xi32>
      %broadcast_in_dim3A_401 = vector.shape_cast %reduce_sum3A_400 : vector<512xi32> to vector<512x1xi32>
      %add3A_402 = arith.addi %while3A_385, %broadcast_in_dim3A_401 : vector<512x1xi32>
      %reduce_sum3A_403 = arith.constant dense<0> : vector<512xi32>
      %reduce_sum3A_404 = vector.multi_reduction <add>, %select_n3A_398, %reduce_sum3A_403 [0] : vector<512x512xi32> to vector<512xi32>
      %broadcast_in_dim3A_405 = vector.shape_cast %reduce_sum3A_404 : vector<512xi32> to vector<1x512xi32>
      %sub3A_406 = arith.constant 512 : i32
      %sub3A_407 = vector.broadcast %sub3A_406 : i32 to vector<1x512xi32>
      %sub3A_408 = arith.subi %sub3A_407, %broadcast_in_dim3A_405 : vector<1x512xi32>
      %get3A_409 = arith.index_cast %while3A_384 : i32 to index
      %get3A_410 = arith.constant 0 : index
      %get3A_411 = arith.constant 0 : index
      %get3A_412 = vector.load %arg16[%get3A_409, %get3A_410, %get3A_411] : memref<10x1x512xi32, #tpu.memory_space<vmem>>, vector<1x1x512xi32>
      %reshape3A_413 = vector.shape_cast %sub3A_408 : vector<1x512xi32> to vector<1x1x512xi32>
      %add3A_414 = arith.addi %get3A_412, %reshape3A_413 : vector<1x1x512xi32>
      %swap3A_415 = arith.index_cast %while3A_384 : i32 to index
      %swap3A_416 = arith.constant 0 : index
      %swap3A_417 = arith.constant 0 : index
      %swap3A_418 = vector.load %arg16[%swap3A_415, %swap3A_416, %swap3A_417] : memref<10x1x512xi32, #tpu.memory_space<vmem>>, vector<1x1x512xi32>
      tpu.vector_store %arg16[%swap3A_415, %swap3A_416, %swap3A_417], %add3A_414 {strides = array<i32>} : memref<10x1x512xi32, #tpu.memory_space<vmem>>, vector<1x1x512xi32>,
      scf.yield %add3A_402 : vector<512x1xi32>
    }
    %while3A_35 = arith.constant 1 : i32
    %while3A_36 = scf.for %while3A_384 = %while3A_32 to %while3A_28 step %while3A_35 iter_args(%while3A_385 = %while3A_34) -> (vector<512x1xi32>)  : i32 {
      %get3A_386 = arith.index_cast %while3A_384 : i32 to index
      %get3A_387 = arith.constant 0 : index
      %get3A_388 = arith.constant 0 : index
      %get3A_389 = vector.load %arg2[%get3A_386, %get3A_387, %get3A_388] : memref<10x1x512xf32, #tpu.memory_space<vmem>>, vector<1x1x512xf32>
      %reshape3A_390 = vector.shape_cast %get3A_389 : vector<1x1x512xf32> to vector<1x512xf32>
      %lt3A_391 = vector.broadcast %reshape3A_390 : vector<1x512xf32> to vector<512x512xf32>
      %lt3A_392 = vector.broadcast %get3A_5 : vector<512x1xf32> to vector<512x512xf32>
      %lt3A_393 = arith.cmpf olt, %lt3A_391, %lt3A_392 : vector<512x512xf32>
      %jit3A_394 = arith.constant 1 : i32
      %jit3A_395 = arith.constant 0 : i32
      %broadcast_in_dim3A_396 = vector.broadcast %jit3A_394 : i32 to vector<512x512xi32>
      %broadcast_in_dim3A_397 = vector.broadcast %jit3A_395 : i32 to vector<512x512xi32>
      %select_n3A_398 = arith.select %lt3A_393, %broadcast_in_dim3A_396, %broadcast_in_dim3A_397 : vector<512x512xi1>, vector<512x512xi32>
      %reduce_sum3A_399 = arith.constant dense<0> : vector<512xi32>
      %reduce_sum3A_400 = vector.multi_reduction <add>, %select_n3A_398, %reduce_sum3A_399 [1] : vector<512x512xi32> to vector<512xi32>
      %broadcast_in_dim3A_401 = vector.shape_cast %reduce_sum3A_400 : vector<512xi32> to vector<512x1xi32>
      %add3A_402 = arith.addi %while3A_385, %broadcast_in_dim3A_401 : vector<512x1xi32>
      %reduce_sum3A_403 = arith.constant dense<0> : vector<512xi32>
      %reduce_sum3A_404 = vector.multi_reduction <add>, %select_n3A_398, %reduce_sum3A_403 [0] : vector<512x512xi32> to vector<512xi32>
      %broadcast_in_dim3A_405 = vector.shape_cast %reduce_sum3A_404 : vector<512xi32> to vector<1x512xi32>
      %sub3A_406 = arith.constant 512 : i32
      %sub3A_407 = vector.broadcast %sub3A_406 : i32 to vector<1x512xi32>
      %sub3A_408 = arith.subi %sub3A_407, %broadcast_in_dim3A_405 : vector<1x512xi32>
      %get3A_409 = arith.index_cast %while3A_384 : i32 to index
      %get3A_410 = arith.constant 0 : index
      %get3A_411 = arith.constant 0 : index
      %get3A_412 = vector.load %arg16[%get3A_409, %get3A_410, %get3A_411] : memref<10x1x512xi32, #tpu.memory_space<vmem>>, vector<1x1x512xi32>
      %reshape3A_413 = vector.shape_cast %sub3A_408 : vector<1x512xi32> to vector<1x1x512xi32>
      %add3A_414 = arith.addi %get3A_412, %reshape3A_413 : vector<1x1x512xi32>
      %swap3A_415 = arith.index_cast %while3A_384 : i32 to index
      %swap3A_416 = arith.constant 0 : index
      %swap3A_417 = arith.constant 0 : index
      %swap3A_418 = vector.load %arg16[%swap3A_415, %swap3A_416, %swap3A_417] : memref<10x1x512xi32, #tpu.memory_space<vmem>>, vector<1x1x512xi32>
      tpu.vector_store %arg16[%swap3A_415, %swap3A_416, %swap3A_417], %add3A_414 {strides = array<i32>} : memref<10x1x512xi32, #tpu.memory_space<vmem>>, vector<1x1x512xi32>,
      scf.yield %add3A_402 : vector<512x1xi32>
    }
    %swap3A = arith.constant 0 : index
    %swap3A_37 = arith.constant 0 : index
    %swap3A_38 = vector.load %arg14[%swap3A, %swap3A_37] : memref<512x1xi32, #tpu.memory_space<vmem>>, vector<512x1xi32>
    tpu.vector_store %arg14[%swap3A, %swap3A_37], %while3A_36 {strides = array<i32>} : memref<512x1xi32, #tpu.memory_space<vmem>>, vector<512x1xi32>,
    %get3A_39 = arith.constant 0 : index
    %get3A_40 = arith.constant 0 : index
    %get3A_41 = vector.load %arg3[%get3A_39, %get3A_40] : memref<512x1xf32, #tpu.memory_space<vmem>>, vector<512x1xf32>
    %get3A_42 = arith.index_cast %arg0 : i32 to index
    %get3A_43 = arith.constant 0 : index
    %get3A_44 = arith.constant 0 : index
    %get3A_45 = vector.load %arg4[%get3A_42, %get3A_43, %get3A_44] : memref<10x1x512xf32, #tpu.memory_space<vmem>>, vector<1x1x512xf32>
    %reshape3A_46 = vector.shape_cast %get3A_45 : vector<1x1x512xf32> to vector<1x512xf32>
    %mul3A_47 = arith.constant 512 : i32
    %mul3A_48 = arith.muli %arg0, %mul3A_47 : i32
    %iota3A_49 = tpu.iota {dimensions = array<i32: 1>} : vector<1x512xi32>
    %add3A_50 = vector.broadcast %mul3A_48 : i32 to vector<1x512xi32>
    %add3A_51 = arith.addi %add3A_50, %iota3A_49 : vector<1x512xi32>
    %lt3A_52 = vector.broadcast %reshape3A_46 : vector<1x512xf32> to vector<512x512xf32>
    %lt3A_53 = vector.broadcast %get3A_41 : vector<512x1xf32> to vector<512x512xf32>
    %lt3A_54 = arith.cmpf olt, %lt3A_52, %lt3A_53 : vector<512x512xf32>
    %eq3A_55 = vector.broadcast %reshape3A_46 : vector<1x512xf32> to vector<512x512xf32>
    %eq3A_56 = vector.broadcast %get3A_41 : vector<512x1xf32> to vector<512x512xf32>
    %eq3A_57 = arith.cmpf oeq, %eq3A_55, %eq3A_56 : vector<512x512xf32>
    %lt3A_58 = vector.broadcast %add3A_51 : vector<1x512xi32> to vector<512x512xi32>
    %lt3A_59 = vector.broadcast %add3A_1 : vector<512x1xi32> to vector<512x512xi32>
    %lt3A_60 = arith.cmpi slt, %lt3A_58, %lt3A_59 : vector<512x512xi32>
    %and3A_61 = arith.andi %eq3A_57, %lt3A_60 : vector<512x512xi1>
    %or3A_62 = arith.ori %lt3A_54, %and3A_61 : vector<512x512xi1>
    %convert_element_type3A_63 = arith.extui %or3A_62 : vector<512x512xi1> to vector<512x512xi32>
    %reduce_sum3A_64 = arith.constant dense<0> : vector<512xi32>
    %reduce_sum3A_65 = vector.multi_reduction <add>, %convert_element_type3A_63, %reduce_sum3A_64 [1] : vector<512x512xi32> to vector<512xi32>
    %broadcast_in_dim3A_66 = vector.shape_cast %reduce_sum3A_65 : vector<512xi32> to vector<512x1xi32>
    %add3A_67 = arith.constant 1 : i32
    %add3A_68 = arith.addi %arg0, %add3A_67 : i32
    %while3A_69 = arith.constant 10 : i32
    %while3A_70 = arith.subi %while3A_69, %add3A_68 : i32
    %while3A_71 = arith.addi %add3A_68, %while3A_70 : i32
    %while3A_72 = arith.constant 1 : i32
    %while3A_73 = arith.divsi %while3A_70, %while3A_72 : i32
    %while3A_74 = arith.muli %while3A_73, %while3A_72 : i32
    %while3A_75 = arith.addi %add3A_68, %while3A_74 : i32
    %while3A_76 = arith.constant 1 : i32
    %while3A_77 = scf.for %while3A_384 = %add3A_68 to %while3A_75 step %while3A_76 iter_args(%while3A_385 = %broadcast_in_dim3A_66) -> (vector<512x1xi32>)  : i32 {
      %get3A_386 = arith.index_cast %while3A_384 : i32 to index
      %get3A_387 = arith.constant 0 : index
      %get3A_388 = arith.constant 0 : index
      %get3A_389 = vector.load %arg4[%get3A_386, %get3A_387, %get3A_388] : memref<10x1x512xf32, #tpu.memory_space<vmem>>, vector<1x1x512xf32>
      %reshape3A_390 = vector.shape_cast %get3A_389 : vector<1x1x512xf32> to vector<1x512xf32>
      %lt3A_391 = vector.broadcast %reshape3A_390 : vector<1x512xf32> to vector<512x512xf32>
      %lt3A_392 = vector.broadcast %get3A_41 : vector<512x1xf32> to vector<512x512xf32>
      %lt3A_393 = arith.cmpf olt, %lt3A_391, %lt3A_392 : vector<512x512xf32>
      %jit3A_394 = arith.constant 1 : i32
      %jit3A_395 = arith.constant 0 : i32
      %broadcast_in_dim3A_396 = vector.broadcast %jit3A_394 : i32 to vector<512x512xi32>
      %broadcast_in_dim3A_397 = vector.broadcast %jit3A_395 : i32 to vector<512x512xi32>
      %select_n3A_398 = arith.select %lt3A_393, %broadcast_in_dim3A_396, %broadcast_in_dim3A_397 : vector<512x512xi1>, vector<512x512xi32>
      %reduce_sum3A_399 = arith.constant dense<0> : vector<512xi32>
      %reduce_sum3A_400 = vector.multi_reduction <add>, %select_n3A_398, %reduce_sum3A_399 [1] : vector<512x512xi32> to vector<512xi32>
      %broadcast_in_dim3A_401 = vector.shape_cast %reduce_sum3A_400 : vector<512xi32> to vector<512x1xi32>
      %add3A_402 = arith.addi %while3A_385, %broadcast_in_dim3A_401 : vector<512x1xi32>
      %reduce_sum3A_403 = arith.constant dense<0> : vector<512xi32>
      %reduce_sum3A_404 = vector.multi_reduction <add>, %select_n3A_398, %reduce_sum3A_403 [0] : vector<512x512xi32> to vector<512xi32>
      %broadcast_in_dim3A_405 = vector.shape_cast %reduce_sum3A_404 : vector<512xi32> to vector<1x512xi32>
      %sub3A_406 = arith.constant 512 : i32
      %sub3A_407 = vector.broadcast %sub3A_406 : i32 to vector<1x512xi32>
      %sub3A_408 = arith.subi %sub3A_407, %broadcast_in_dim3A_405 : vector<1x512xi32>
      %get3A_409 = arith.index_cast %while3A_384 : i32 to index
      %get3A_410 = arith.constant 0 : index
      %get3A_411 = arith.constant 0 : index
      %get3A_412 = vector.load %arg17[%get3A_409, %get3A_410, %get3A_411] : memref<10x1x512xi32, #tpu.memory_space<vmem>>, vector<1x1x512xi32>
      %reshape3A_413 = vector.shape_cast %sub3A_408 : vector<1x512xi32> to vector<1x1x512xi32>
      %add3A_414 = arith.addi %get3A_412, %reshape3A_413 : vector<1x1x512xi32>
      %swap3A_415 = arith.index_cast %while3A_384 : i32 to index
      %swap3A_416 = arith.constant 0 : index
      %swap3A_417 = arith.constant 0 : index
      %swap3A_418 = vector.load %arg17[%swap3A_415, %swap3A_416, %swap3A_417] : memref<10x1x512xi32, #tpu.memory_space<vmem>>, vector<1x1x512xi32>
      tpu.vector_store %arg17[%swap3A_415, %swap3A_416, %swap3A_417], %add3A_414 {strides = array<i32>} : memref<10x1x512xi32, #tpu.memory_space<vmem>>, vector<1x1x512xi32>,
      scf.yield %add3A_402 : vector<512x1xi32>
    }
    %while3A_78 = arith.constant 1 : i32
    %while3A_79 = scf.for %while3A_384 = %while3A_75 to %while3A_71 step %while3A_78 iter_args(%while3A_385 = %while3A_77) -> (vector<512x1xi32>)  : i32 {
      %get3A_386 = arith.index_cast %while3A_384 : i32 to index
      %get3A_387 = arith.constant 0 : index
      %get3A_388 = arith.constant 0 : index
      %get3A_389 = vector.load %arg4[%get3A_386, %get3A_387, %get3A_388] : memref<10x1x512xf32, #tpu.memory_space<vmem>>, vector<1x1x512xf32>
      %reshape3A_390 = vector.shape_cast %get3A_389 : vector<1x1x512xf32> to vector<1x512xf32>
      %lt3A_391 = vector.broadcast %reshape3A_390 : vector<1x512xf32> to vector<512x512xf32>
      %lt3A_392 = vector.broadcast %get3A_41 : vector<512x1xf32> to vector<512x512xf32>
      %lt3A_393 = arith.cmpf olt, %lt3A_391, %lt3A_392 : vector<512x512xf32>
      %jit3A_394 = arith.constant 1 : i32
      %jit3A_395 = arith.constant 0 : i32
      %broadcast_in_dim3A_396 = vector.broadcast %jit3A_394 : i32 to vector<512x512xi32>
      %broadcast_in_dim3A_397 = vector.broadcast %jit3A_395 : i32 to vector<512x512xi32>
      %select_n3A_398 = arith.select %lt3A_393, %broadcast_in_dim3A_396, %broadcast_in_dim3A_397 : vector<512x512xi1>, vector<512x512xi32>
      %reduce_sum3A_399 = arith.constant dense<0> : vector<512xi32>
      %reduce_sum3A_400 = vector.multi_reduction <add>, %select_n3A_398, %reduce_sum3A_399 [1] : vector<512x512xi32> to vector<512xi32>
      %broadcast_in_dim3A_401 = vector.shape_cast %reduce_sum3A_400 : vector<512xi32> to vector<512x1xi32>
      %add3A_402 = arith.addi %while3A_385, %broadcast_in_dim3A_401 : vector<512x1xi32>
      %reduce_sum3A_403 = arith.constant dense<0> : vector<512xi32>
      %reduce_sum3A_404 = vector.multi_reduction <add>, %select_n3A_398, %reduce_sum3A_403 [0] : vector<512x512xi32> to vector<512xi32>
      %broadcast_in_dim3A_405 = vector.shape_cast %reduce_sum3A_404 : vector<512xi32> to vector<1x512xi32>
      %sub3A_406 = arith.constant 512 : i32
      %sub3A_407 = vector.broadcast %sub3A_406 : i32 to vector<1x512xi32>
      %sub3A_408 = arith.subi %sub3A_407, %broadcast_in_dim3A_405 : vector<1x512xi32>
      %get3A_409 = arith.index_cast %while3A_384 : i32 to index
      %get3A_410 = arith.constant 0 : index
      %get3A_411 = arith.constant 0 : index
      %get3A_412 = vector.load %arg17[%get3A_409, %get3A_410, %get3A_411] : memref<10x1x512xi32, #tpu.memory_space<vmem>>, vector<1x1x512xi32>
      %reshape3A_413 = vector.shape_cast %sub3A_408 : vector<1x512xi32> to vector<1x1x512xi32>
      %add3A_414 = arith.addi %get3A_412, %reshape3A_413 : vector<1x1x512xi32>
      %swap3A_415 = arith.index_cast %while3A_384 : i32 to index
      %swap3A_416 = arith.constant 0 : index
      %swap3A_417 = arith.constant 0 : index
      %swap3A_418 = vector.load %arg17[%swap3A_415, %swap3A_416, %swap3A_417] : memref<10x1x512xi32, #tpu.memory_space<vmem>>, vector<1x1x512xi32>
      tpu.vector_store %arg17[%swap3A_415, %swap3A_416, %swap3A_417], %add3A_414 {strides = array<i32>} : memref<10x1x512xi32, #tpu.memory_space<vmem>>, vector<1x1x512xi32>,
      scf.yield %add3A_402 : vector<512x1xi32>
    }
    %swap3A_80 = arith.constant 0 : index
    %swap3A_81 = arith.constant 0 : index
    %swap3A_82 = vector.load %arg15[%swap3A_80, %swap3A_81] : memref<512x1xi32, #tpu.memory_space<vmem>>, vector<512x1xi32>
    tpu.vector_store %arg15[%swap3A_80, %swap3A_81], %while3A_79 {strides = array<i32>} : memref<512x1xi32, #tpu.memory_space<vmem>>, vector<512x1xi32>,
    %get3A_83 = arith.constant 0 : index
    %get3A_84 = arith.constant 0 : index
    %get3A_85 = vector.load %arg13[%get3A_83, %get3A_84] : memref<512x36xf32, #tpu.memory_space<vmem>>, vector<512x36xf32>
    %max3A = arith.constant 9.99999996E-13 : f32
    %max3A_86 = vector.broadcast %max3A : f32 to vector<512x36xf32>
    %max3A_87 = arith.maximumf %get3A_85, %max3A_86 : vector<512x36xf32>
    %log3A = math.log %max3A_87 : vector<512x36xf32>
    %swap3A_88 = arith.constant 0 : index
    %swap3A_89 = arith.constant 0 : index
    %swap3A_90 = vector.load %arg21[%swap3A_88, %swap3A_89] : memref<512x36xf32, #tpu.memory_space<vmem>>, vector<512x36xf32>
    tpu.vector_store %arg21[%swap3A_88, %swap3A_89], %log3A {strides = array<i32>} : memref<512x36xf32, #tpu.memory_space<vmem>>, vector<512x36xf32>,
    %reduce_sum3A_91 = arith.constant dense<0.000000e+00> : vector<512xf32>
    %reduce_sum3A_92 = vector.multi_reduction <add>, %max3A_87, %reduce_sum3A_91 [1] : vector<512x36xf32> to vector<512xf32>
    %broadcast_in_dim3A_93 = vector.shape_cast %reduce_sum3A_92 : vector<512xf32> to vector<512x1xf32>
    %log3A_94 = math.log %broadcast_in_dim3A_93 : vector<512x1xf32>
    %swap3A_95 = arith.constant 0 : index
    %swap3A_96 = arith.constant 0 : index
    %swap3A_97 = vector.load %arg20[%swap3A_95, %swap3A_96] : memref<512x1xf32, #tpu.memory_space<vmem>>, vector<512x1xf32>
    tpu.vector_store %arg20[%swap3A_95, %swap3A_96], %log3A_94 {strides = array<i32>} : memref<512x1xf32, #tpu.memory_space<vmem>>, vector<512x1xf32>,
    %get3A_98 = arith.constant 0 : index
    %get3A_99 = arith.constant 0 : index
    %get3A_100 = vector.load %arg5[%get3A_98, %get3A_99] : memref<512x1xf32, #tpu.memory_space<vmem>>, vector<512x1xf32>
    %get3A_101 = arith.constant 0 : index
    %get3A_102 = arith.constant 0 : index
    %get3A_103 = vector.load %arg6[%get3A_101, %get3A_102] : memref<512x1xf32, #tpu.memory_space<vmem>>, vector<512x1xf32>
    %get3A_104 = arith.constant 0 : index
    %get3A_105 = arith.constant 0 : index
    %get3A_106 = vector.load %arg7[%get3A_104, %get3A_105] : memref<512x1xf32, #tpu.memory_space<vmem>>, vector<512x1xf32>
    %get3A_107 = arith.constant 0 : index
    %get3A_108 = arith.constant 0 : index
    %get3A_109 = vector.load %arg8[%get3A_107, %get3A_108] : memref<512x1xf32, #tpu.memory_space<vmem>>, vector<512x1xf32>
    %get3A_110 = arith.constant 0 : index
    %get3A_111 = arith.constant 0 : index
    %get3A_112 = vector.load %arg9[%get3A_110, %get3A_111] : memref<1x1024xf32, #tpu.memory_space<vmem>>, vector<1x1024xf32>
    %get3A_113 = arith.constant 0 : index
    %get3A_114 = arith.constant 0 : index
    %get3A_115 = vector.load %arg10[%get3A_113, %get3A_114] : memref<1x1024xf32, #tpu.memory_space<vmem>>, vector<1x1024xf32>
    %get3A_116 = arith.constant 0 : index
    %get3A_117 = arith.constant 0 : index
    %get3A_118 = vector.load %arg11[%get3A_116, %get3A_117] : memref<1x1024xf32, #tpu.memory_space<vmem>>, vector<1x1024xf32>
    %get3A_119 = arith.constant 0 : index
    %get3A_120 = arith.constant 0 : index
    %get3A_121 = vector.load %arg12[%get3A_119, %get3A_120] : memref<1x1024xf32, #tpu.memory_space<vmem>>, vector<1x1024xf32>
    %mul3A_122 = arith.constant 5.000000e-01 : f32
    %mul3A_123 = vector.broadcast %mul3A_122 : f32 to vector<512x1xf32>
    %mul3A_124 = arith.mulf %get3A_106, %mul3A_123 : vector<512x1xf32>
    %sub3A = arith.subf %get3A_100, %mul3A_124 : vector<512x1xf32>
    %mul3A_125 = arith.constant 5.000000e-01 : f32
    %mul3A_126 = vector.broadcast %mul3A_125 : f32 to vector<512x1xf32>
    %mul3A_127 = arith.mulf %get3A_106, %mul3A_126 : vector<512x1xf32>
    %add3A_128 = arith.addf %get3A_100, %mul3A_127 : vector<512x1xf32>
    %mul3A_129 = arith.constant 5.000000e-01 : f32
    %mul3A_130 = vector.broadcast %mul3A_129 : f32 to vector<512x1xf32>
    %mul3A_131 = arith.mulf %get3A_109, %mul3A_130 : vector<512x1xf32>
    %sub3A_132 = arith.subf %get3A_103, %mul3A_131 : vector<512x1xf32>
    %mul3A_133 = arith.constant 5.000000e-01 : f32
    %mul3A_134 = vector.broadcast %mul3A_133 : f32 to vector<512x1xf32>
    %mul3A_135 = arith.mulf %get3A_109, %mul3A_134 : vector<512x1xf32>
    %add3A_136 = arith.addf %get3A_103, %mul3A_135 : vector<512x1xf32>
    %mul3A_137 = arith.constant 5.000000e-01 : f32
    %mul3A_138 = vector.broadcast %mul3A_137 : f32 to vector<1x1024xf32>
    %mul3A_139 = arith.mulf %get3A_118, %mul3A_138 : vector<1x1024xf32>
    %sub3A_140 = arith.subf %get3A_112, %mul3A_139 : vector<1x1024xf32>
    %mul3A_141 = arith.constant 5.000000e-01 : f32
    %mul3A_142 = vector.broadcast %mul3A_141 : f32 to vector<1x1024xf32>
    %mul3A_143 = arith.mulf %get3A_118, %mul3A_142 : vector<1x1024xf32>
    %add3A_144 = arith.addf %get3A_112, %mul3A_143 : vector<1x1024xf32>
    %mul3A_145 = arith.constant 5.000000e-01 : f32
    %mul3A_146 = vector.broadcast %mul3A_145 : f32 to vector<1x1024xf32>
    %mul3A_147 = arith.mulf %get3A_121, %mul3A_146 : vector<1x1024xf32>
    %sub3A_148 = arith.subf %get3A_115, %mul3A_147 : vector<1x1024xf32>
    %mul3A_149 = arith.constant 5.000000e-01 : f32
    %mul3A_150 = vector.broadcast %mul3A_149 : f32 to vector<1x1024xf32>
    %mul3A_151 = arith.mulf %get3A_121, %mul3A_150 : vector<1x1024xf32>
    %add3A_152 = arith.addf %get3A_115, %mul3A_151 : vector<1x1024xf32>
    %min3A = vector.broadcast %add3A_128 : vector<512x1xf32> to vector<512x1024xf32>
    %min3A_153 = vector.broadcast %add3A_144 : vector<1x1024xf32> to vector<512x1024xf32>
    %min3A_154 = arith.minimumf %min3A, %min3A_153 : vector<512x1024xf32>
    %max3A_155 = vector.broadcast %sub3A : vector<512x1xf32> to vector<512x1024xf32>
    %max3A_156 = vector.broadcast %sub3A_140 : vector<1x1024xf32> to vector<512x1024xf32>
    %max3A_157 = arith.maximumf %max3A_155, %max3A_156 : vector<512x1024xf32>
    %sub3A_158 = arith.subf %min3A_154, %max3A_157 : vector<512x1024xf32>
    %max3A_159 = arith.constant 0.000000e+00 : f32
    %max3A_160 = vector.broadcast %max3A_159 : f32 to vector<512x1024xf32>
    %max3A_161 = arith.maximumf %sub3A_158, %max3A_160 : vector<512x1024xf32>
    %min3A_162 = vector.broadcast %add3A_136 : vector<512x1xf32> to vector<512x1024xf32>
    %min3A_163 = vector.broadcast %add3A_152 : vector<1x1024xf32> to vector<512x1024xf32>
    %min3A_164 = arith.minimumf %min3A_162, %min3A_163 : vector<512x1024xf32>
    %max3A_165 = vector.broadcast %sub3A_132 : vector<512x1xf32> to vector<512x1024xf32>
    %max3A_166 = vector.broadcast %sub3A_148 : vector<1x1024xf32> to vector<512x1024xf32>
    %max3A_167 = arith.maximumf %max3A_165, %max3A_166 : vector<512x1024xf32>
    %sub3A_168 = arith.subf %min3A_164, %max3A_167 : vector<512x1024xf32>
    %max3A_169 = arith.constant 0.000000e+00 : f32
    %max3A_170 = vector.broadcast %max3A_169 : f32 to vector<512x1024xf32>
    %max3A_171 = arith.maximumf %sub3A_168, %max3A_170 : vector<512x1024xf32>
    %mul3A_172 = arith.mulf %max3A_161, %max3A_171 : vector<512x1024xf32>
    %mul3A_173 = arith.mulf %get3A_106, %get3A_109 : vector<512x1xf32>
    %mul3A_174 = arith.mulf %get3A_118, %get3A_121 : vector<1x1024xf32>
    %add3A_175 = vector.broadcast %mul3A_173 : vector<512x1xf32> to vector<512x1024xf32>
    %add3A_176 = vector.broadcast %mul3A_174 : vector<1x1024xf32> to vector<512x1024xf32>
    %add3A_177 = arith.addf %add3A_175, %add3A_176 : vector<512x1024xf32>
    %sub3A_178 = arith.subf %add3A_177, %mul3A_172 : vector<512x1024xf32>
    %add3A_179 = arith.constant 1.000000e-07 : f32
    %add3A_180 = vector.broadcast %add3A_179 : f32 to vector<512x1024xf32>
    %add3A_181 = arith.addf %sub3A_178, %add3A_180 : vector<512x1024xf32>
    %div3A = arith.divf %mul3A_172, %add3A_181 : vector<512x1024xf32>
    %max3A_182 = vector.broadcast %add3A_128 : vector<512x1xf32> to vector<512x1024xf32>
    %max3A_183 = vector.broadcast %add3A_144 : vector<1x1024xf32> to vector<512x1024xf32>
    %max3A_184 = arith.maximumf %max3A_182, %max3A_183 : vector<512x1024xf32>
    %min3A_185 = vector.broadcast %sub3A : vector<512x1xf32> to vector<512x1024xf32>
    %min3A_186 = vector.broadcast %sub3A_140 : vector<1x1024xf32> to vector<512x1024xf32>
    %min3A_187 = arith.minimumf %min3A_185, %min3A_186 : vector<512x1024xf32>
    %sub3A_188 = arith.subf %max3A_184, %min3A_187 : vector<512x1024xf32>
    %max3A_189 = vector.broadcast %add3A_136 : vector<512x1xf32> to vector<512x1024xf32>
    %max3A_190 = vector.broadcast %add3A_152 : vector<1x1024xf32> to vector<512x1024xf32>
    %max3A_191 = arith.maximumf %max3A_189, %max3A_190 : vector<512x1024xf32>
    %min3A_192 = vector.broadcast %sub3A_132 : vector<512x1xf32> to vector<512x1024xf32>
    %min3A_193 = vector.broadcast %sub3A_148 : vector<1x1024xf32> to vector<512x1024xf32>
    %min3A_194 = arith.minimumf %min3A_192, %min3A_193 : vector<512x1024xf32>
    %sub3A_195 = arith.subf %max3A_191, %min3A_194 : vector<512x1024xf32>
    %mul3A_196 = arith.mulf %sub3A_188, %sub3A_188 : vector<512x1024xf32>
    %mul3A_197 = arith.mulf %sub3A_195, %sub3A_195 : vector<512x1024xf32>
    %add3A_198 = arith.addf %mul3A_196, %mul3A_197 : vector<512x1024xf32>
    %add3A_199 = arith.constant 1.000000e-07 : f32
    %add3A_200 = vector.broadcast %add3A_199 : f32 to vector<512x1024xf32>
    %add3A_201 = arith.addf %add3A_198, %add3A_200 : vector<512x1024xf32>
    %sub3A_202 = vector.broadcast %get3A_112 : vector<1x1024xf32> to vector<512x1024xf32>
    %sub3A_203 = vector.broadcast %get3A_100 : vector<512x1xf32> to vector<512x1024xf32>
    %sub3A_204 = arith.subf %sub3A_202, %sub3A_203 : vector<512x1024xf32>
    %sub3A_205 = vector.broadcast %get3A_115 : vector<1x1024xf32> to vector<512x1024xf32>
    %sub3A_206 = vector.broadcast %get3A_103 : vector<512x1xf32> to vector<512x1024xf32>
    %sub3A_207 = arith.subf %sub3A_205, %sub3A_206 : vector<512x1024xf32>
    %mul3A_208 = arith.mulf %sub3A_204, %sub3A_204 : vector<512x1024xf32>
    %mul3A_209 = arith.mulf %sub3A_207, %sub3A_207 : vector<512x1024xf32>
    %add3A_210 = arith.addf %mul3A_208, %mul3A_209 : vector<512x1024xf32>
    %add3A_211 = arith.constant 1.000000e-07 : f32
    %add3A_212 = vector.broadcast %add3A_211 : f32 to vector<512x1xf32>
    %add3A_213 = arith.addf %get3A_109, %add3A_212 : vector<512x1xf32>
    %div3A_214 = arith.divf %get3A_106, %add3A_213 : vector<512x1xf32>
    %abs3A = math.absf %div3A_214 : vector<512x1xf32>
    %gt3A = arith.constant 2.41421366 : f32
    %gt3A_215 = vector.broadcast %gt3A : f32 to vector<512x1xf32>
    %gt3A_216 = arith.cmpf ogt, %abs3A, %gt3A_215 : vector<512x1xf32>
    %gt3A_217 = arith.constant 0.414213568 : f32
    %gt3A_218 = vector.broadcast %gt3A_217 : f32 to vector<512x1xf32>
    %gt3A_219 = arith.cmpf ogt, %abs3A, %gt3A_218 : vector<512x1xf32>
    %div3A_220 = arith.constant -1.000000e+00 : f32
    %div3A_221 = vector.broadcast %div3A_220 : f32 to vector<512x1xf32>
    %div3A_222 = arith.divf %div3A_221, %abs3A : vector<512x1xf32>
    %sub3A_223 = arith.constant 1.000000e+00 : f32
    %sub3A_224 = vector.broadcast %sub3A_223 : f32 to vector<512x1xf32>
    %sub3A_225 = arith.subf %abs3A, %sub3A_224 : vector<512x1xf32>
    %add3A_226 = arith.constant 1.000000e+00 : f32
    %add3A_227 = vector.broadcast %add3A_226 : f32 to vector<512x1xf32>
    %add3A_228 = arith.addf %abs3A, %add3A_227 : vector<512x1xf32>
    %div3A_229 = arith.divf %sub3A_225, %add3A_228 : vector<512x1xf32>
    %select_n3A = arith.select %gt3A_219, %div3A_229, %abs3A : vector<512x1xi1>, vector<512x1xf32>
    %select_n3A_230 = arith.select %gt3A_216, %div3A_222, %select_n3A : vector<512x1xi1>, vector<512x1xf32>
    %jit3A = arith.constant 0.785398185 : f32
    %jit3A_231 = arith.constant 0.000000e+00 : f32
    %broadcast_in_dim3A_232 = vector.broadcast %jit3A : f32 to vector<512x1xf32>
    %broadcast_in_dim3A_233 = vector.broadcast %jit3A_231 : f32 to vector<512x1xf32>
    %select_n3A_234 = arith.select %gt3A_219, %broadcast_in_dim3A_232, %broadcast_in_dim3A_233 : vector<512x1xi1>, vector<512x1xf32>
    %jit3A_235 = arith.constant 1.57079637 : f32
    %broadcast_in_dim3A_236 = vector.broadcast %jit3A_235 : f32 to vector<512x1xf32>
    %select_n3A_237 = arith.select %gt3A_216, %broadcast_in_dim3A_236, %select_n3A_234 : vector<512x1xi1>, vector<512x1xf32>
    %mul3A_238 = arith.mulf %select_n3A_230, %select_n3A_230 : vector<512x1xf32>
    %mul3A_239 = arith.constant 0.0805374458 : f32
    %mul3A_240 = vector.broadcast %mul3A_239 : f32 to vector<512x1xf32>
    %mul3A_241 = arith.mulf %mul3A_240, %mul3A_238 : vector<512x1xf32>
    %sub3A_242 = arith.constant 0.138776854 : f32
    %sub3A_243 = vector.broadcast %sub3A_242 : f32 to vector<512x1xf32>
    %sub3A_244 = arith.subf %mul3A_241, %sub3A_243 : vector<512x1xf32>
    %mul3A_245 = arith.mulf %sub3A_244, %mul3A_238 : vector<512x1xf32>
    %add3A_246 = arith.constant 0.199777111 : f32
    %add3A_247 = vector.broadcast %add3A_246 : f32 to vector<512x1xf32>
    %add3A_248 = arith.addf %mul3A_245, %add3A_247 : vector<512x1xf32>
    %mul3A_249 = arith.mulf %add3A_248, %mul3A_238 : vector<512x1xf32>
    %sub3A_250 = arith.constant 0.333329499 : f32
    %sub3A_251 = vector.broadcast %sub3A_250 : f32 to vector<512x1xf32>
    %sub3A_252 = arith.subf %mul3A_249, %sub3A_251 : vector<512x1xf32>
    %mul3A_253 = arith.mulf %sub3A_252, %mul3A_238 : vector<512x1xf32>
    %mul3A_254 = arith.mulf %mul3A_253, %select_n3A_230 : vector<512x1xf32>
    %add3A_255 = arith.addf %mul3A_254, %select_n3A_230 : vector<512x1xf32>
    %sign3A = tpu.bitcast %div3A_214 : vector<512x1xf32> -> vector<512x1xi32>
    %sign3A_256 = arith.constant -2147483648 : i32
    %sign3A_257 = vector.broadcast %sign3A_256 : i32 to vector<512x1xi32>
    %sign3A_258 = arith.andi %sign3A, %sign3A_257 : vector<512x1xi32>
    %sign3A_259 = arith.constant 1065353216 : i32
    %sign3A_260 = vector.broadcast %sign3A_259 : i32 to vector<512x1xi32>
    %sign3A_261 = arith.ori %sign3A_260, %sign3A_258 : vector<512x1xi32>
    %sign3A_262 = tpu.bitcast %sign3A_261 : vector<512x1xi32> -> vector<512x1xf32>
    %sign3A_263 = math.absf %div3A_214 : vector<512x1xf32>
    %sign3A_264 = arith.constant 0.000000e+00 : f32
    %sign3A_265 = vector.broadcast %sign3A_264 : f32 to vector<512x1xf32>
    %sign3A_266 = arith.cmpf ogt, %sign3A_263, %sign3A_265 : vector<512x1xf32>
    %sign3A_267 = arith.select %sign3A_266, %sign3A_262, %div3A_214 : vector<512x1xi1>, vector<512x1xf32>
    %add3A_268 = arith.addf %select_n3A_237, %add3A_255 : vector<512x1xf32>
    %mul3A_269 = arith.mulf %sign3A_267, %add3A_268 : vector<512x1xf32>
    %add3A_270 = arith.constant 1.000000e-07 : f32
    %add3A_271 = vector.broadcast %add3A_270 : f32 to vector<1x1024xf32>
    %add3A_272 = arith.addf %get3A_121, %add3A_271 : vector<1x1024xf32>
    %div3A_273 = arith.divf %get3A_118, %add3A_272 : vector<1x1024xf32>
    %abs3A_274 = math.absf %div3A_273 : vector<1x1024xf32>
    %gt3A_275 = arith.constant 2.41421366 : f32
    %gt3A_276 = vector.broadcast %gt3A_275 : f32 to vector<1x1024xf32>
    %gt3A_277 = arith.cmpf ogt, %abs3A_274, %gt3A_276 : vector<1x1024xf32>
    %gt3A_278 = arith.constant 0.414213568 : f32
    %gt3A_279 = vector.broadcast %gt3A_278 : f32 to vector<1x1024xf32>
    %gt3A_280 = arith.cmpf ogt, %abs3A_274, %gt3A_279 : vector<1x1024xf32>
    %div3A_281 = arith.constant -1.000000e+00 : f32
    %div3A_282 = vector.broadcast %div3A_281 : f32 to vector<1x1024xf32>
    %div3A_283 = arith.divf %div3A_282, %abs3A_274 : vector<1x1024xf32>
    %sub3A_284 = arith.constant 1.000000e+00 : f32
    %sub3A_285 = vector.broadcast %sub3A_284 : f32 to vector<1x1024xf32>
    %sub3A_286 = arith.subf %abs3A_274, %sub3A_285 : vector<1x1024xf32>
    %add3A_287 = arith.constant 1.000000e+00 : f32
    %add3A_288 = vector.broadcast %add3A_287 : f32 to vector<1x1024xf32>
    %add3A_289 = arith.addf %abs3A_274, %add3A_288 : vector<1x1024xf32>
    %div3A_290 = arith.divf %sub3A_286, %add3A_289 : vector<1x1024xf32>
    %select_n3A_291 = arith.select %gt3A_280, %div3A_290, %abs3A_274 : vector<1x1024xi1>, vector<1x1024xf32>
    %select_n3A_292 = arith.select %gt3A_277, %div3A_283, %select_n3A_291 : vector<1x1024xi1>, vector<1x1024xf32>
    %jit3A_293 = arith.constant 0.785398185 : f32
    %jit3A_294 = arith.constant 0.000000e+00 : f32
    %broadcast_in_dim3A_295 = vector.broadcast %jit3A_293 : f32 to vector<1x1024xf32>
    %broadcast_in_dim3A_296 = vector.broadcast %jit3A_294 : f32 to vector<1x1024xf32>
    %select_n3A_297 = arith.select %gt3A_280, %broadcast_in_dim3A_295, %broadcast_in_dim3A_296 : vector<1x1024xi1>, vector<1x1024xf32>
    %jit3A_298 = arith.constant 1.57079637 : f32
    %broadcast_in_dim3A_299 = vector.broadcast %jit3A_298 : f32 to vector<1x1024xf32>
    %select_n3A_300 = arith.select %gt3A_277, %broadcast_in_dim3A_299, %select_n3A_297 : vector<1x1024xi1>, vector<1x1024xf32>
    %mul3A_301 = arith.mulf %select_n3A_292, %select_n3A_292 : vector<1x1024xf32>
    %mul3A_302 = arith.constant 0.0805374458 : f32
    %mul3A_303 = vector.broadcast %mul3A_302 : f32 to vector<1x1024xf32>
    %mul3A_304 = arith.mulf %mul3A_303, %mul3A_301 : vector<1x1024xf32>
    %sub3A_305 = arith.constant 0.138776854 : f32
    %sub3A_306 = vector.broadcast %sub3A_305 : f32 to vector<1x1024xf32>
    %sub3A_307 = arith.subf %mul3A_304, %sub3A_306 : vector<1x1024xf32>
    %mul3A_308 = arith.mulf %sub3A_307, %mul3A_301 : vector<1x1024xf32>
    %add3A_309 = arith.constant 0.199777111 : f32
    %add3A_310 = vector.broadcast %add3A_309 : f32 to vector<1x1024xf32>
    %add3A_311 = arith.addf %mul3A_308, %add3A_310 : vector<1x1024xf32>
    %mul3A_312 = arith.mulf %add3A_311, %mul3A_301 : vector<1x1024xf32>
    %sub3A_313 = arith.constant 0.333329499 : f32
    %sub3A_314 = vector.broadcast %sub3A_313 : f32 to vector<1x1024xf32>
    %sub3A_315 = arith.subf %mul3A_312, %sub3A_314 : vector<1x1024xf32>
    %mul3A_316 = arith.mulf %sub3A_315, %mul3A_301 : vector<1x1024xf32>
    %mul3A_317 = arith.mulf %mul3A_316, %select_n3A_292 : vector<1x1024xf32>
    %add3A_318 = arith.addf %mul3A_317, %select_n3A_292 : vector<1x1024xf32>
    %sign3A_319 = tpu.bitcast %div3A_273 : vector<1x1024xf32> -> vector<1x1024xi32>
    %sign3A_320 = arith.constant -2147483648 : i32
    %sign3A_321 = vector.broadcast %sign3A_320 : i32 to vector<1x1024xi32>
    %sign3A_322 = arith.andi %sign3A_319, %sign3A_321 : vector<1x1024xi32>
    %sign3A_323 = arith.constant 1065353216 : i32
    %sign3A_324 = vector.broadcast %sign3A_323 : i32 to vector<1x1024xi32>
    %sign3A_325 = arith.ori %sign3A_324, %sign3A_322 : vector<1x1024xi32>
    %sign3A_326 = tpu.bitcast %sign3A_325 : vector<1x1024xi32> -> vector<1x1024xf32>
    %sign3A_327 = math.absf %div3A_273 : vector<1x1024xf32>
    %sign3A_328 = arith.constant 0.000000e+00 : f32
    %sign3A_329 = vector.broadcast %sign3A_328 : f32 to vector<1x1024xf32>
    %sign3A_330 = arith.cmpf ogt, %sign3A_327, %sign3A_329 : vector<1x1024xf32>
    %sign3A_331 = arith.select %sign3A_330, %sign3A_326, %div3A_273 : vector<1x1024xi1>, vector<1x1024xf32>
    %add3A_332 = arith.addf %select_n3A_300, %add3A_318 : vector<1x1024xf32>
    %mul3A_333 = arith.mulf %sign3A_331, %add3A_332 : vector<1x1024xf32>
    %sub3A_334 = vector.broadcast %mul3A_333 : vector<1x1024xf32> to vector<512x1024xf32>
    %sub3A_335 = vector.broadcast %mul3A_269 : vector<512x1xf32> to vector<512x1024xf32>
    %sub3A_336 = arith.subf %sub3A_334, %sub3A_335 : vector<512x1024xf32>
    %mul3A_337 = arith.constant 0.405284733 : f32
    %mul3A_338 = vector.broadcast %mul3A_337 : f32 to vector<512x1024xf32>
    %mul3A_339 = arith.mulf %mul3A_338, %sub3A_336 : vector<512x1024xf32>
    %mul3A_340 = arith.mulf %mul3A_339, %sub3A_336 : vector<512x1024xf32>
    %sub3A_341 = arith.subf %mul3A_340, %div3A : vector<512x1024xf32>
    %add3A_342 = arith.constant 1.00000012 : f32
    %add3A_343 = vector.broadcast %add3A_342 : f32 to vector<512x1024xf32>
    %add3A_344 = arith.addf %sub3A_341, %add3A_343 : vector<512x1024xf32>
    %div3A_345 = arith.divf %mul3A_340, %add3A_344 : vector<512x1024xf32>
    %div3A_346 = arith.divf %add3A_210, %add3A_201 : vector<512x1024xf32>
    %mul3A_347 = arith.mulf %mul3A_340, %div3A_345 : vector<512x1024xf32>
    %add3A_348 = arith.addf %div3A_346, %mul3A_347 : vector<512x1024xf32>
    %sub3A_349 = arith.subf %div3A, %add3A_348 : vector<512x1024xf32>
    %iota3A_350 = tpu.iota {dimensions = array<i32: 1>} : vector<1x1024xi32>
    %lt3A_351 = arith.constant 1000 : i32
    %lt3A_352 = vector.broadcast %lt3A_351 : i32 to vector<1x1024xi32>
    %lt3A_353 = arith.cmpi slt, %iota3A_350, %lt3A_352 : vector<1x1024xi32>
    %jit3A_354 = arith.constant -3.000000e+38 : f32
    %broadcast_in_dim3A_355 = vector.shape_cast %lt3A_353 : vector<1x1024xi1> to vector<1x1024xi1>
    %broadcast_in_dim3A_356 = vector.broadcast %broadcast_in_dim3A_355 : vector<1x1024xi1> to vector<512x1024xi1>
    %broadcast_in_dim3A_357 = vector.broadcast %jit3A_354 : f32 to vector<512x1024xf32>
    %select_n3A_358 = arith.select %broadcast_in_dim3A_356, %sub3A_349, %broadcast_in_dim3A_357 : vector<512x1024xi1>, vector<512x1024xf32>
    %reduce_max3A = arith.constant dense<0xFF800000> : vector<512xf32>
    %reduce_max3A_359 = vector.multi_reduction <maximumf>, %select_n3A_358, %reduce_max3A [1] : vector<512x1024xf32> to vector<512xf32>
    %broadcast_in_dim3A_360 = vector.shape_cast %reduce_max3A_359 : vector<512xf32> to vector<512x1xf32>
    %iota3A_361 = tpu.iota {dimensions = array<i32: 1>} : vector<512x1024xi32>
    %eq3A_362 = vector.broadcast %broadcast_in_dim3A_360 : vector<512x1xf32> to vector<512x1024xf32>
    %eq3A_363 = arith.cmpf oeq, %select_n3A_358, %eq3A_362 : vector<512x1024xf32>
    %jit3A_364 = arith.constant 1024 : i32
    %broadcast_in_dim3A_365 = vector.broadcast %jit3A_364 : i32 to vector<512x1024xi32>
    %select_n3A_366 = arith.select %eq3A_363, %iota3A_361, %broadcast_in_dim3A_365 : vector<512x1024xi1>, vector<512x1024xi32>
    %reduce_min3A = arith.constant dense<2147483647> : vector<512xi32>
    %reduce_min3A_367 = vector.multi_reduction <minsi>, %select_n3A_366, %reduce_min3A [1] : vector<512x1024xi32> to vector<512xi32>
    %broadcast_in_dim3A_368 = vector.shape_cast %reduce_min3A_367 : vector<512xi32> to vector<512x1xi32>
    %swap3A_369 = arith.constant 0 : index
    %swap3A_370 = arith.constant 0 : index
    %swap3A_371 = vector.load %arg19[%swap3A_369, %swap3A_370] : memref<512x1xi32, #tpu.memory_space<vmem>>, vector<512x1xi32>
    tpu.vector_store %arg19[%swap3A_369, %swap3A_370], %broadcast_in_dim3A_368 {strides = array<i32>} : memref<512x1xi32, #tpu.memory_space<vmem>>, vector<512x1xi32>,
    %gt3A_372 = arith.constant 3.000000e-01 : f32
    %gt3A_373 = vector.broadcast %gt3A_372 : f32 to vector<512x1xf32>
    %gt3A_374 = arith.cmpf ogt, %broadcast_in_dim3A_360, %gt3A_373 : vector<512x1xf32>
    %lt3A_375 = arith.constant 5000 : i32
    %lt3A_376 = vector.broadcast %lt3A_375 : i32 to vector<512x1xi32>
    %lt3A_377 = arith.cmpi slt, %add3A_1, %lt3A_376 : vector<512x1xi32>
    %and3A_378 = arith.andi %gt3A_374, %lt3A_377 : vector<512x1xi1>
    %convert_element_type3A_379 = arith.extui %and3A_378 : vector<512x1xi1> to vector<512x1xi32>
    %convert_element_type3A_380 = arith.sitofp %convert_element_type3A_379 : vector<512x1xi32> to vector<512x1xf32>
    %swap3A_381 = arith.constant 0 : index
    %swap3A_382 = arith.constant 0 : index
    %swap3A_383 = vector.load %arg18[%swap3A_381, %swap3A_382] : memref<512x1xf32, #tpu.memory_space<vmem>>, vector<512x1xf32>
    tpu.vector_store %arg18[%swap3A_381, %swap3A_382], %convert_element_type3A_380 {strides = array<i32>} : memref<512x1xf32, #tpu.memory_space<vmem>>, vector<512x1xf32>,
    return
  }
  func.func @transform_0(%arg0: i32) -> (i32, i32) {
    %c0_i32 = arith.constant 0 : i32
    %c0_i32_0 = arith.constant 0 : i32
    return %arg0, %c0_i32 : i32, i32
  }
  func.func @transform_1(%arg0: i32) -> (i32, i32, i32) {
    %c0_i32 = arith.constant 0 : i32
    %c0_i32_0 = arith.constant 0 : i32
    %c0_i32_1 = arith.constant 0 : i32
    %c0_i32_2 = arith.constant 0 : i32
    return %c0_i32, %c0_i32_0, %c0_i32_1 : i32, i32, i32
  }
  func.func @transform_2(%arg0: i32) -> (i32, i32) {
    %c0_i32 = arith.constant 0 : i32
    %c0_i32_0 = arith.constant 0 : i32
    return %arg0, %c0_i32 : i32, i32
  }
  func.func @transform_3(%arg0: i32) -> (i32, i32, i32) {
    %c0_i32 = arith.constant 0 : i32
    %c0_i32_0 = arith.constant 0 : i32
    %c0_i32_1 = arith.constant 0 : i32
    %c0_i32_2 = arith.constant 0 : i32
    return %c0_i32, %c0_i32_0, %c0_i32_1 : i32, i32, i32
  }
  func.func @transform_4(%arg0: i32) -> (i32, i32) {
    %c0_i32 = arith.constant 0 : i32
    %c0_i32_0 = arith.constant 0 : i32
    return %arg0, %c0_i32 : i32, i32
  }
  func.func @transform_5(%arg0: i32) -> (i32, i32) {
    %c0_i32 = arith.constant 0 : i32
    %c0_i32_0 = arith.constant 0 : i32
    return %arg0, %c0_i32 : i32, i32
  }
  func.func @transform_6(%arg0: i32) -> (i32, i32) {
    %c0_i32 = arith.constant 0 : i32
    %c0_i32_0 = arith.constant 0 : i32
    return %arg0, %c0_i32 : i32, i32
  }
  func.func @transform_7(%arg0: i32) -> (i32, i32) {
    %c0_i32 = arith.constant 0 : i32
    %c0_i32_0 = arith.constant 0 : i32
    return %arg0, %c0_i32 : i32, i32
  }
  func.func @transform_8(%arg0: i32) -> (i32, i32) {
    %c0_i32 = arith.constant 0 : i32
    %c0_i32_0 = arith.constant 0 : i32
    %c0_i32_1 = arith.constant 0 : i32
    return %c0_i32, %c0_i32_0 : i32, i32
  }
  func.func @transform_9(%arg0: i32) -> (i32, i32) {
    %c0_i32 = arith.constant 0 : i32
    %c0_i32_0 = arith.constant 0 : i32
    %c0_i32_1 = arith.constant 0 : i32
    return %c0_i32, %c0_i32_0 : i32, i32
  }
  func.func @transform_10(%arg0: i32) -> (i32, i32) {
    %c0_i32 = arith.constant 0 : i32
    %c0_i32_0 = arith.constant 0 : i32
    %c0_i32_1 = arith.constant 0 : i32
    return %c0_i32, %c0_i32_0 : i32, i32
  }
  func.func @transform_11(%arg0: i32) -> (i32, i32) {
    %c0_i32 = arith.constant 0 : i32
    %c0_i32_0 = arith.constant 0 : i32
    %c0_i32_1 = arith.constant 0 : i32
    return %c0_i32, %c0_i32_0 : i32, i32
  }
  func.func @transform_12(%arg0: i32) -> (i32, i32) {
    %c0_i32 = arith.constant 0 : i32
    %c0_i32_0 = arith.constant 0 : i32
    return %arg0, %c0_i32 : i32, i32
  }
  func.func @transform_13(%arg0: i32) -> (i32, i32) {
    %c0_i32 = arith.constant 0 : i32
    %c0_i32_0 = arith.constant 0 : i32
    return %arg0, %c0_i32 : i32, i32
  }
  func.func @transform_14(%arg0: i32) -> (i32, i32) {
    %c0_i32 = arith.constant 0 : i32
    %c0_i32_0 = arith.constant 0 : i32
    return %arg0, %c0_i32 : i32, i32
  }
  func.func @transform_15(%arg0: i32) -> (i32, i32, i32) {
    %c0_i32 = arith.constant 0 : i32
    %c0_i32_0 = arith.constant 0 : i32
    %c0_i32_1 = arith.constant 0 : i32
    %c0_i32_2 = arith.constant 0 : i32
    return %c0_i32, %c0_i32_0, %c0_i32_1 : i32, i32, i32
  }
  func.func @transform_16(%arg0: i32) -> (i32, i32, i32) {
    %c0_i32 = arith.constant 0 : i32
    %c0_i32_0 = arith.constant 0 : i32
    %c0_i32_1 = arith.constant 0 : i32
    %c0_i32_2 = arith.constant 0 : i32
    return %c0_i32, %c0_i32_0, %c0_i32_1 : i32, i32, i32
  }
  func.func @transform_17(%arg0: i32) -> (i32, i32) {
    %c0_i32 = arith.constant 0 : i32
    %c0_i32_0 = arith.constant 0 : i32
    return %arg0, %c0_i32 : i32, i32
  }
  func.func @transform_18(%arg0: i32) -> (i32, i32) {
    %c0_i32 = arith.constant 0 : i32
    %c0_i32_0 = arith.constant 0 : i32
    return %arg0, %c0_i32 : i32, i32
  }
  func.func @transform_19(%arg0: i32) -> (i32, i32) {
    %c0_i32 = arith.constant 0 : i32
    %c0_i32_0 = arith.constant 0 : i32
    return %arg0, %c0_i32 : i32, i32
  }
  func.func @transform_20(%arg0: i32) -> (i32, i32) {
    %c0_i32 = arith.constant 0 : i32
    %c0_i32_0 = arith.constant 0 : i32
    return %arg0, %c0_i32 : i32, i32
  }
}

</mosaic_0001>

<sc_bundles>
// kernel: kernel.4.cloned.1.call-start
scs
__scs_entry_jumppad:
0x0: {  	(pc) =	sbr.rel $0x88, $3  }
0x1: {  	(tag) =	ssettag $0x0;
	lr =	simm.s32 $0x1  }
0x2: {  	[smem:$0x3F9C] =	sst lr;
	_ =	strace $0xD0000000  }
0x3: {  	_ = 	snop  }
0x4: {  	_ = 	snop  }
0x5: {  	_ = 	snop  }
0x6: {  	_ = 	snop  }
0x7: {  	_ = 	snop  }
__scs_overlays_trampoline_lowered:
0x8: {  	[smem:$0x3FAB] =	sst s0  }
0x9: {  	[smem:$0x3FAC] =	sst s1  }
0xa: {  	[smem:$0x3FAD] =	sst s2  }
0xb: {  	[smem:$0x3FAE] =	sst s3  }
0xc: {  	[smem:$0x3FAF] =	sst s4  }
0xd: {  	[smem:$0x3FB0] =	sst s5  }
0xe: {  	[smem:$0x3FB1] =	sst s6  }
0xf: {  	[smem:$0x3FB2] =	sst s7  }
0x10: {  	[smem:$0x3FB3] =	sst s8  }
0x11: {  	[smem:$0x3FB4] =	sst s9;
	s0 =	simm.s32 @!p0 $0x0  }
0x12: {  	s1 =	sld [smem:$0x3F9A];
	s0 =	simm.s32 @p0 $0x1  }
0x13: {  	[smem:$0x3FB5] =	sst s0;
	s0 =	simm.s32 @!p1 $0x0  }
0x14: {  	s2 =	sld [smem:$0x3F99];
	s0 =	simm.s32 @p1 $0x1  }
0x15: {  	[smem:$0x3FB6] =	sst s0;
	s0 =	simm.s32 @!p2 $0x0  }
0x16: {  	s3 =	sld [smem:$0x3FDB];
	s0 =	simm.s32 @p2 $0x1  }
0x17: {  	s4 =	simm.s32 $0x1BF5;
	[smem:$0x3FB8] =	sst s0  }
0x18: {  	s0 =	sld [smem:$0x3F9B];
	_ =	swait.ge [sflag:s4], $0x0  }
0x19: {  	s7 =	sld [smem:$0x3F9C]  }
0x1a: {  	s8 =	sadd.s32 $0xFFFFE003, lr  }
0x1b: {  	s9 =	sadd.s32 $0xFFFFFEF7, lr;
	s5 =	simm.s32 $0xFFFFFFFF;
	p2 =	slt.u32 s8, $0xFFFFF086  }
0x1c: {  	p1 =	slt.u32 s9, $0xF7A;
	s5 =	simm.s32 @!p2 $0x0  }
0x1d: {  	s5 =	simm.s32 @p1 $0x1;
	p0 =	seq.s32 s7, s2  }
0x1e: {  	s7 =	smul.u32 @!p0 $0xF7A, s2;
	p2 =	seq.s32 @!p0 s5, $0x0  }
0x1f: {  	s9 =	smul.u32 $0xF7A, s1;
	s8 =	simm.s32 @!p0 $0x1BF5;
	p2 =	por !p2, p0  }
0x20: {  	[sflag:s8] =	ssyncset.s32 @!p0 $0xFFFFF086;
	s6 =	sadd.s32 @!p0 s3, s7;
	s7 =	simm.s32 @!p0 $0x108  }
0x21: {  	s3 =	sadd.s32 s3, s9;
	s6 =	sadd.s32 @!p0 $0x88, s6;
	s7 =	simm.s32 @p2 $0x1082  }
0x22: {  	[simem:s7], [sflag:s8] =	dma.local @!p0 [hbm:s6], $0xF7A  }
0x23: {  	s9 =	sor.u32 $0xD0000000, s2;
	s6 =	simm.s32 $0x108;
	_ =	swait.ge @!p0 [sflag:s8], $0x0  }
0x24: {  	s3 =	sadd.s32 $0x88, s3;
	s6 =	simm.s32 @!p1 $0x1082;
	[sflag:s4] =	ssyncset.s32 $0xFFFFF086  }
0x25: {  	[simem:s6], [sflag:s4] =	dma.local [hbm:s3], $0xF7A  }
0x26: {  	[smem:$0x3F9C] =	sst s1;
	(tag) =	ssettag s2;
	_ =	strace s9  }
0x27: {  	s1 =	sld [smem:$0x3FAC]  }
0x28: {  	s2 =	sld [smem:$0x3FAD]  }
0x29: {  	s4 =	sld [smem:$0x3FAF]  }
0x2a: {  	p0 =	seq.s32 s5, $0x0;
	s5 =	sld [smem:$0x3FB0]  }
0x2b: {  	s6 =	sld [smem:$0x3FB1]  }
0x2c: {  	s7 =	sld [smem:$0x3FB2]  }
0x2d: {  	s3 =	simm.s32 $0x108;
	s8 =	sld [smem:$0x3FB3]  }
0x2e: {  	s3 =	simm.s32 @!p0 $0x1082;
	s9 =	sld [smem:$0x3FB4]  }
0x2f: {  	lr =	sadd.s32 s0, s3;
	s0 =	sld [smem:$0x3FAB]  }
0x30: {  	s3 =	sld [smem:$0x3FAE]  }
0x31: {  	[smem:$0x3FB7] =	sst s10  }
0x32: {  	s10 =	sld [smem:$0x3FB5];
	_ =	sdelay $0x3  }
0x33: {  	p0 =	seq.s32 s10, $0x1;
	s10 =	sld [smem:$0x3FB7];
	_ =	sdelay $0x3  }
0x34: {  	[smem:$0x3FB7] =	sst s10  }
0x35: {  	s10 =	sld [smem:$0x3FB6];
	_ =	sdelay $0x3  }
0x36: {  	p1 =	seq.s32 s10, $0x1;
	s10 =	sld [smem:$0x3FB7];
	_ =	sdelay $0x3  }
0x37: {  	[smem:$0x3FB7] =	sst s10  }
0x38: {  	s10 =	sld [smem:$0x3FB8]  }
0x39: {  	_ = 	snop;
	(pc) =	sbr.ind lr, $3  }
0x3a: {  	_ = 	snop  }
0x3b: {  	_ = 	snop  }
0x3c: {  	p2 =	seq.s32 s10, $0x1;
	s10 =	sld [smem:$0x3FB7]  }
0x3d: {  	_ =	shalt  }
0x3e: {  	_ =	shalt  }
0x3f: {  	_ =	shalt  }
0x40: {  	_ =	shalt  }
0x41: {  	_ =	shalt  }
0x42: {  	_ =	shalt  }
0x43: {  	_ =	shalt  }
0x44: {  	_ =	shalt  }
0x45: {  	_ =	shalt  }
0x46: {  	_ =	shalt  }
0x47: {  	_ =	shalt  }
0x48: {  	_ =	shalt  }
0x49: {  	_ =	shalt  }
0x4a: {  	_ =	shalt  }
0x4b: {  	_ =	shalt  }
0x4c: {  	_ =	shalt  }
0x4d: {  	_ =	shalt  }
0x4e: {  	_ =	shalt  }
0x4f: {  	_ =	shalt  }
0x50: {  	_ =	shalt  }
0x51: {  	_ =	shalt  }
0x52: {  	_ =	shalt  }
0x53: {  	_ =	shalt  }
0x54: {  	_ =	shalt  }
0x55: {  	_ =	shalt  }
0x56: {  	_ =	shalt  }
0x57: {  	_ =	shalt  }
0x58: {  	_ =	shalt  }
0x59: {  	_ =	shalt  }
0x5a: {  	_ =	shalt  }
0x5b: {  	_ =	shalt  }
0x5c: {  	_ =	shalt  }
0x5d: {  	_ =	shalt  }
0x5e: {  	_ =	shalt  }
0x5f: {  	_ =	shalt  }
0x60: {  	_ =	shalt  }
0x61: {  	_ =	shalt  }
0x62: {  	_ =	shalt  }
0x63: {  	_ =	shalt  }
0x64: {  	_ =	shalt  }
0x65: {  	_ =	shalt  }
0x66: {  	_ =	shalt  }
0x67: {  	_ =	shalt  }
0x68: {  	_ =	shalt  }
0x69: {  	_ =	shalt  }
0x6a: {  	_ =	shalt  }
0x6b: {  	_ =	shalt  }
0x6c: {  	_ =	shalt  }
0x6d: {  	_ =	shalt  }
0x6e: {  	_ =	shalt  }
0x6f: {  	_ =	shalt  }
0x70: {  	_ =	shalt  }
0x71: {  	_ =	shalt  }
0x72: {  	_ =	shalt  }
0x73: {  	_ =	shalt  }
0x74: {  	_ =	shalt  }
0x75: {  	_ =	shalt  }
0x76: {  	_ =	shalt  }
0x77: {  	_ =	shalt  }
0x78: {  	_ =	shalt  }
0x79: {  	_ =	shalt  }
0x7a: {  	_ =	shalt  }
0x7b: {  	_ =	shalt  }
0x7c: {  	_ =	shalt  }
0x7d: {  	_ =	shalt  }
0x7e: {  	_ =	shalt  }
0x7f: {  	_ =	shalt  }
0x80: {  	_ =	shalt  }
0x81: {  	_ =	shalt  }
0x82: {  	_ =	shalt  }
0x83: {  	_ =	shalt  }
0x84: {  	_ =	shalt  }
0x85: {  	_ =	shalt  }
0x86: {  	_ =	shalt  }
0x87: {  	_ =	shalt  }
.Lfunc_end0:
.L_simem_size_0:
called_computation_lowered:
.L_overlay_start_0:
0x88: {  	s2 =	sld [smem:$0x3FD9]  }
0x89: {  	s3 =	sld [smem:$0x3FFE];
	_ =	sdelay $0x1  }
0x8a: {  	s1 =	srdreg.scid  }
0x8b: {  	s0 =	sand.u32 $0x1, s1  }
0x8c: {  	s16 =	sshll.u32 s0, $0xA;
	s2 =	sadd.s32 s3, s2  }
0x8d: {  	s2 =	sadd.s32 s2, s16  }
0x8e: {  	[smem:$0x3FC3] =	sst s2  }
0x8f: {  	_ = 	snop  }
0x90: {  	(tm) =	ssettm $0x1  }
0x91: {  	s17 =	sld [smem:$0x3FFB];
	_ =	sdelay $0x3  }
0x92: {  	_ =	strace s17  }
0x93: {  	s2 =	sld [smem:$0x3FFC];
	_ =	sdelay $0x3  }
0x94: {  	_ =	strace s2  }
0x95: {  	s2 =	sld [smem:$0x3FFD];
	_ =	sdelay $0x3  }
0x96: {  	_ =	strace s2  }
0x97: {  	_ =	strace $0x8FFFFFFF  }
0x98: {  	s18 =	sld [smem:$0x3FDB];
	_ =	sdelay $0x1  }
0x99: {  	s19 =	simm.s32 $_scs_section_size  }
0x9a: {  	s4 =	simm.s32 $_size__tile_overlayer_lowered;
	s5 =	simm.s32 $_tile_overlayer_lowered  }
0x9b: {  	s22 =	simm.s32 $0x1BFF;
	s21 =	sshll.u32 s5, $0x1;
	s2 =	sadd.s32 s19, s18  }
0x9c: {  	s6 =	simm.s32 $0x0;
	s20 =	sshll.u32 s4, $0x1;
	s4 =	sadd.s32 s21, s2  }
0x9d: {  	[timem:s6], [sflag:s22] =	dma.local [hbm:s4], s20  }
0x9e: {  	_ =	swait.ge [sflag:s22], s20  }
0x9f: {  	s3 =	ssub.s32 $0x0, s20;
	[sflag:s22] =	ssyncset.done $0x0  }
0xa0: {  	[sflag:s22] =	ssyncadd.s32 s3;
	_ =	sdelay $0x1  }
0xa1: {  	s23 =	simm.s32 $0x1B8B  }
0xa2: {  	_ =	swait.ge [sflag:s23], $0x1  }
0xa3: {  	[sflag:s23] =	ssyncset.done $0x0  }
0xa4: {  	s25 =	simm.s32 $0x1B8E;
	s24 =	sld [smem:$0x3FFE];
	[sflag:s23] =	ssyncadd.s32 $0xFFFFFFFF  }
0xa5: {  	s26 =	simm.s32 $execute0_lowered;
	[smem:$0x3FD2] =	sst s25  }
0xa6: {  	s4 =	sshll.u32 s26, $0x1;
	_ =	strace $0x80000046;
	[dreg:$0x1] =	wrdreg $0xFFFFFFFF  }
0xa7: {  	s28 =	simm.s32 $_size_execute0_lowered;
	s2 =	sadd.s32 s2, s4;
	[dreg:$0x0] =	wrdreg $0x0  }
0xa8: {  	s4 =	sshll.u32 s28, $0x1;
	[dreg:$0x2] =	wrdreg s2  }
0xa9: {  	[dreg:$0x3] =	wrdreg s4  }
0xaa: {  	[dreg:$0x4] =	wrdreg $0xC0  }
0xab: {  	_ =	task [dreg:s6], $0x5FFFF  }
0xac: {  	[dreg:$0x1] =	wrdreg $0xFFFFFFFF  }
0xad: {  	[dreg:$0x0] =	wrdreg $0x60  }
0xae: {  	[dreg:$0x2] =	wrdreg s24  }
0xaf: {  	[dreg:$0x3] =	wrdreg $0x9  }
0xb0: {  	_ =	task.clear_ibuf [dreg:s6], $0x4FFFF;
	_ =	strace $0x90000046  }
0xb1: {  	s29 =	simm.s32 $0x9;
	_ =	strace $0x80000048  }
0xb2: {  	_ =	swait.ge [sflag:s29], $0x1  }
0xb3: {  	[sflag:s29] =	ssyncadd.s32 $0xFFFFFFFF  }
0xb4: {  	_ =	strace $0x90000048  }
0xb5: {  	_ =	sfence  }
0xb6: {  	s30 =	sld [smem:$0x0];
	_ =	sdelay $0x2  }
0xb7: {  	s31 =	sshll.u32 s1, $0xD;
	s1 =	sshrl.u32 s1, $0x2  }
0xb8: {  	s3 =	sand.u32 $0x4000, s31;
	s1 =	sadd.s32 s1, s30  }
0xb9: {  	s0 =	sor.u32 s3, s0;
	s1 =	sshll.u32 s1, $0x11  }
0xba: {  	s0 =	sor.u32 s1, s0  }
0xbb: {  	s0 =	sadd.s32 $0x8F2B, s0  }
0xbc: {  	[sflag:s0] =	ssyncadd.remote.s32 $0x1  }
0xbd: {  	_ =	sfence.sel $0xFFFF  }
0xbe: {  	[dreg:$0x0] =	wrdreg $0xFFFFFFFF;
	(pc) =	sbr.abs _section_cstart, $3  }
0xbf: {  	[dreg:$0x1] =	wrdreg $0xFFFFFFFF  }
0xc0: {  	_ =	task.clear_ibuf [dreg:s6], $0x2FFFF;
	_ =	strace $0x9FFFFFFF  }
0xc1: {  	(tm) =	ssettm $0x7FFFFFFF  }
tec
execute0_lowered:
.L_overlay_start_1:
0x0: {  	(tag) =	ssettag $0x1  }
0x1: {  	s1 =	srdreg.scid  }
0x2: {  	s0 =	stileid.u32;
	s9 =	rddreg [dreg:$0x0]  }
0x3: {  	s2 =	simm.s32 $0x0;
	s14 =	simm.s32 $0x200;
	s15 =	simm.s32 $0x7A00  }
0x4: {  	s16 =	simm.s32 $0x8E00;
	s17 =	simm.s32 $0xA200;
	s18 =	simm.s32 $0x1  }
0x5: {  	s19 =	simm.s32 $0x6600;
	s20 =	simm.s32 $0xA600;
	s21 =	simm.s32 $0x2  }
0x6: {  	s22 =	simm.s32 $0xA680;
	s7 =	sand.u32 $0x1, s1;
	s1 =	rddreg [dreg:$0x1]  }
0x7: {  	s23 =	simm.s32 $0x0;
	s31 =	sshll.u32 s0, $0x1;
	[smem:$0x7FF] =	sst s2  }
0x8: {  	s4 =	sadd.s32 $0x14400, s9;
	s5 =	sadd.s32 $0x14800, s9;
	s8 =	sor.u32 s7, s31  }
0x9: {  	s6 =	sadd.s32 $0x14C00, s9;
	s7 =	ssub.s32 $0x2, s7;
	s3 =	smul.u32 $0x14, s8  }
0xa: {  	s11 =	sshll.u32 s8, $0x4;
	s12 =	sshrl.u32 s7, $0x1;
	s13 =	smul.u32 $0xA00, s8  }
0xb: {  	_ =	strace $0x80000047;
	s11 =	sadd.s32 s11, s9;
	s12 =	ssub.s32 s7, s12  }
0xc: {  	s10 =	sadd.s32 s3, s9;
	s3 =	sadd.s32 $0x14E00, s9;
	s9 =	sadd.s32 s9, s13  }
0xd: {  	v0 =	vlaneseq.u32;
	s12 =	smax.u32 s12, $0x1;
	s13 =	simm.s32 $0x100;
	s7 =	sadd.s32 $0x15200, s10  }
0xe: {  	v1 =	vmul.u32 $0x80, v0;
	s8 =	sadd.s32 $0x14000, s10;
	s10 =	sadd.s32 $0x15800, s11;
	s11 =	sadd.s32 $0x15600, s11  }
.LBB2_1:
0xf: {  	[tilespmem:s2], [sflag:$0x1] =	stream.linear.gather [hbm4b:s7+s2], $0xA0, $0x38;
	[tilespmem:$0xA700] =	vst v63  }
0x10: {  	_ = 	snop  }
0x11: {  	[tilespmem:s13], [sflag:$0x1] =	stream.linear.gather [hbm4b:s8+s2], $0xA0, $0x38;
	[tilespmem:$0xA700] =	vst v63  }
0x12: {  	_ = 	snop  }
0x13: {  	[tilespmem:s14], [sflag:$0x1] =	stream.linear.gather [hbm4b:s9+s2], $0x5000, $0x38;
	[tilespmem:$0xA700] =	vst v63  }
0x14: {  	s24 =	simm.s32 $0x5200  }
0x15: {  	[tilespmem:s24], [sflag:$0x1] =	stream.linear.gather [hbm4b:s3+s2], $0x1400, $0x38;
	[tilespmem:$0xA700] =	vst v63  }
0x16: {  	_ = 	snop  }
0x17: {  	[tilespmem:s15], [sflag:$0x1] =	stream.linear.gather [hbm4b:s4+s2], $0x1400, $0x38;
	[tilespmem:$0xA700] =	vst v63  }
0x18: {  	_ = 	snop  }
0x19: {  	[tilespmem:s16], [sflag:$0x1] =	stream.linear.gather [hbm4b:s5+s2], $0x1400, $0x38;
	[tilespmem:$0xA700] =	vst v63  }
0x1a: {  	_ = 	snop  }
0x1b: {  	[tilespmem:s17], [sflag:$0x1] =	stream.linear.gather [hbm4b:s6+s2], $0x400, $0x38;
	[tilespmem:$0xA700] =	vst v63  }
0x1c: {  	_ =	swait.ge [sflag:s18], $0xA0  }
0x1d: {  	[sflag:s18] =	ssyncset.done $0x0  }
0x1e: {  	[sflag:s18] =	ssyncadd.s32 $0xFFFFFF60  }
0x1f: {  	_ =	swait.ge [sflag:s18], $0xA0  }
0x20: {  	[sflag:s18] =	ssyncset.done $0x0  }
0x21: {  	[sflag:s18] =	ssyncadd.s32 $0xFFFFFF60  }
0x22: {  	_ =	swait.ge [sflag:s18], $0x5000  }
0x23: {  	[sflag:s18] =	ssyncset.done $0x0  }
0x24: {  	[sflag:s18] =	ssyncadd.s32 $0xFFFFB000  }
0x25: {  	_ =	swait.ge [sflag:s18], $0x1400  }
0x26: {  	[sflag:s18] =	ssyncset.done $0x0  }
0x27: {  	[sflag:s18] =	ssyncadd.s32 $0xFFFFEC00  }
0x28: {  	_ =	swait.ge [sflag:s18], $0x1400  }
0x29: {  	[sflag:s18] =	ssyncset.done $0x0  }
0x2a: {  	[sflag:s18] =	ssyncadd.s32 $0xFFFFEC00  }
0x2b: {  	_ =	swait.ge [sflag:s18], $0x1400  }
0x2c: {  	[sflag:s18] =	ssyncset.done $0x0  }
0x2d: {  	[sflag:s18] =	ssyncadd.s32 $0xFFFFEC00  }
0x2e: {  	_ =	swait.ge [sflag:s18], $0x400  }
0x2f: {  	[sflag:s18] =	ssyncset.done $0x0  }
0x30: {  	s25 =	simm.s32 $0x0;
	[sflag:s18] =	ssyncadd.s32 $0xFFFFFC00  }
.LBB2_2:
0x31: {  	v2 =	vld [tilespmem:s24+$0x0];
	_ =	sdelay $0x2  }
0x32: {  	p0 =	sne.s32 s25, $0x13F0  }
.Ltmp0:
0x33: {  	_ = 	snop;
	(pc) =	sbr.rel @p0 .LBB2_2-.Ltmp0, $3  }
0x34: {  	_ =	sdelay $0x1  }
0x35: {  	v3 =	vor.u32 s25, v0  }
0x36: {  	s24 =	sadd.s32 $0x10, s24;
	s25 =	sadd.s32 $0x10, s25;
	[tilespmem:v2+s19+$0x0] =	vst.idx.msk $0xffff, v3  }
0x37: {  	s24 =	simm.s32 $0x0  }
0x38: {  	v2 =	vld [tilespmem:s24+$0x0];
	_ =	sdelay $0x7  }
0x39: {  	v5 =	vld.idx.msk [tilespmem:v2+s19+$0x0], $0xffff  }
0x3a: {  	s28 =	simm.s32 $0x10  }
0x3b: {  	v2 =	vld [tilespmem:s28+$0x0];
	_ =	sdelay $0x5  }
0x3c: {  	v4 =	vld.idx.msk [tilespmem:v5+s16+$0x0], $0xffff;
	_ =	sdelay $0x1  }
0x3d: {  	s25 =	simm.s32 $0x20;
	v3 =	vld.idx.msk [tilespmem:v2+s19+$0x0], $0xffff  }
0x3e: {  	v2 =	vld [tilespmem:s25+$0x0];
	_ =	sdelay $0x4  }
0x3f: {  	s26 =	simm.s32 $0x30;
	v4 =	vld.idx.msk [tilespmem:v4+s17+$0x0], $0xffff  }
0x40: {  	v7 =	vld [tilespmem:s26+$0x0]  }
0x41: {  	v6 =	vld.idx.msk [tilespmem:v3+s16+$0x0], $0xffff  }
0x42: {  	v8 =	vmov s24;
	v2 =	vld.idx.msk [tilespmem:v2+s19+$0x0], $0xffff  }
0x43: {  	v8 =	vshll.u32 v8, $0x7  }
0x44: {  	v8 =	vor.u32 v1, v8;
	v9 =	vand.u32 $0xFFFFFF80, v4  }
0x45: {  	v4 =	vand.u32 $0x7F, v4;
	v8 =	vadd.s32 v8, v9  }
0x46: {  	s29 =	simm.s32 $0x100;
	v8 =	vor.u32 v4, v8  }
0x47: {  	v11 =	vld [tilespmem:s29+$0x0]  }
0x48: {  	v4 =	vld.idx.msk [tilespmem:v7+s19+$0x0], $0xffff  }
0x49: {  	v6 =	vld.idx.msk [tilespmem:v6+s17+$0x0], $0xffff  }
0x4a: {  	v9 =	vld.idx.msk [tilespmem:v2+s16+$0x0], $0xffff  }
0x4b: {  	s24 =	simm.s32 $0x40;
	v8 =	vld.idx.msk [tilespmem:v8+s14+$0x0], $0xffff  }
0x4c: {  	v7 =	vld [tilespmem:s24+$0x0]  }
0x4d: {  	v13 =	vld.idx.msk [tilespmem:v5+s15+$0x0], $0xffff;
	v5 =	vmov s28  }
0x4e: {  	v5 =	vshll.u32 v5, $0x7  }
0x4f: {  	v14 =	vor.u32 v1, v5;
	v12 =	vand.u32 $0xFFFFFF80, v6  }
0x50: {  	v6 =	vand.u32 $0x7F, v6;
	v8 =	vsub.f32 v11, v8;
	v11 =	vadd.s32 v14, v12  }
0x51: {  	v12 =	vor.u32 v6, v11  }
0x52: {  	v10 =	vld.idx.msk [tilespmem:v4+s16+$0x0], $0xffff  }
0x53: {  	v9 =	vld.idx.msk [tilespmem:v9+s17+$0x0], $0xffff  }
0x54: {  	s28 =	simm.s32 $0x50;
	v5 =	vimm.f32 $0.0e+00;
	v7 =	vld.idx.msk [tilespmem:v7+s19+$0x0], $0xffff  }
0x55: {  	s30 =	simm.s32 $0x60;
	s31 =	simm.s32 $0x50;
	v11 =	vld [tilespmem:s28+$0x0];
	v6 =	vadd.f32 v13, v5;
	v8 =	vmul.f32 v8, v13  }
.LBB2_4:
0x56: {  	p0 =	sne.s32 s30, $0x90;
	v13 =	vmov s25;
	v14 =	vld.idx.msk [tilespmem:v12+s14+$0x0], $0xffff;
	s29 =	sadd.s32 $0x10, s29;
	s25 =	smov.u32 s26  }
0x57: {  	s26 =	smov.u32 s24;
	s24 =	smov.u32 s28;
	s28 =	smov.u32 s30;
	v12 =	vshll.u32 v13, $0x7;
	v13 =	vld [tilespmem:s29+$0x0];
	v5 =	vadd.f32 v8, v5  }
0x58: {  	v8 =	vand.u32 $0xFFFFFF80, v9;
	v12 =	vor.u32 v1, v12;
	v15 =	vld.idx.msk [tilespmem:v3+s15+$0x0], $0xffff;
	v3 =	vmovc v2;
	v2 =	vmov v4  }
0x59: {  	v9 =	vand.u32 $0x7F, v9;
	v8 =	vadd.s32 v12, v8;
	v4 =	vmov v7  }
.Ltmp1:
0x5a: {  	v12 =	vor.u32 v9, v8;
	(pc) =	sbr.rel @p0 .LBB2_4-.Ltmp1, $4  }
0x5b: {  	v9 =	vld.idx.msk [tilespmem:v10+s17+$0x0], $0xffff  }
0x5c: {  	v10 =	vld.idx.msk [tilespmem:v7+s16+$0x0], $0xffff;
	v8 =	vsub.f32 v13, v14  }
0x5d: {  	s31 =	sadd.s32 $0x10, s31;
	v7 =	vld.idx.msk [tilespmem:v11+s19+$0x0], $0xffff  }
0x5e: {  	s30 =	sadd.s32 $0x10, s30;
	v6 =	vadd.f32 v15, v6;
	v11 =	vld [tilespmem:s31+$0x0];
	v8 =	vmul.f32 v8, v15  }
0x5f: {  	_ =	sdelay $0x7  }
0x60: {  	v11 =	vld.idx.msk [tilespmem:v11+s19+$0x0], $0xffff;
	_ =	sdelay $0x5  }
0x61: {  	v13 =	vld.idx.msk [tilespmem:v7+s16+$0x0], $0xffff;
	_ =	sdelay $0x1  }
0x62: {  	v14 =	vld.idx.msk [tilespmem:v11+s16+$0x0], $0xffff;
	_ =	sdelay $0x3  }
0x63: {  	v10 =	vld.idx.msk [tilespmem:v10+s17+$0x0], $0xffff  }
0x64: {  	v15 =	vmov s25;
	v12 =	vld.idx.msk [tilespmem:v12+s14+$0x0], $0xffff  }
0x65: {  	v43 =	vmov s26;
	v46 =	vmov s24;
	v15 =	vshll.u32 v15, $0x7;
	v13 =	vld.idx.msk [tilespmem:v13+s17+$0x0], $0xffff  }
0x66: {  	v3 =	vld.idx.msk [tilespmem:v3+s15+$0x0], $0xffff;
	v49 =	vmov s28;
	v16 =	vand.u32 $0xFFFFFF80, v9;
	v15 =	vor.u32 v1, v15  }
0x67: {  	v42 =	vand.u32 $0x7F, v9;
	v44 =	vshll.u32 v43, $0x7;
	v15 =	vadd.s32 v15, v16;
	v14 =	vld.idx.msk [tilespmem:v14+s17+$0x0], $0xffff  }
0x68: {  	v2 =	vld.idx.msk [tilespmem:v2+s15+$0x0], $0xffff;
	v9 =	vor.u32 v42, v15;
	v15 =	vor.u32 v1, v44;
	v45 =	vand.u32 $0xFFFFFF80, v10  }
0x69: {  	s30 =	sadd.s32 $0x10, s29;
	v4 =	vld.idx.msk [tilespmem:v4+s15+$0x0], $0xffff;
	v47 =	vshll.u32 v46, $0x7;
	v10 =	vand.u32 $0x7F, v10;
	v15 =	vadd.s32 v15, v45  }
0x6a: {  	v17 =	vld [tilespmem:s30+$0x0];
	s31 =	sadd.s32 $0x10, s30;
	v10 =	vor.u32 v10, v15;
	v15 =	vor.u32 v1, v47;
	v48 =	vand.u32 $0xFFFFFF80, v13  }
0x6b: {  	v50 =	vshll.u32 v49, $0x7;
	v18 =	vld [tilespmem:s31+$0x0];
	s24 =	sadd.s32 $0x10, s31;
	v13 =	vand.u32 $0x7F, v13;
	v15 =	vadd.s32 v15, v48  }
0x6c: {  	v52 =	vld [tilespmem:s24+$0x0];
	v13 =	vor.u32 v13, v15;
	v15 =	vor.u32 v1, v50;
	v51 =	vand.u32 $0xFFFFFF80, v14  }
0x6d: {  	v9 =	vld.idx.msk [tilespmem:v9+s14+$0x0], $0xffff;
	v14 =	vand.u32 $0x7F, v14;
	v15 =	vadd.s32 v15, v51  }
0x6e: {  	v54 =	vld.idx.msk [tilespmem:v7+s15+$0x0], $0xffff;
	v14 =	vor.u32 v14, v15  }
0x6f: {  	s24 =	sadd.s32 $0x10, s24;
	v10 =	vld.idx.msk [tilespmem:v10+s14+$0x0], $0xffff  }
0x70: {  	v53 =	vld [tilespmem:s24+$0x0];
	v12 =	vsub.f32 v17, v12  }
0x71: {  	s24 =	sadd.s32 $0x10, s24;
	v13 =	vld.idx.msk [tilespmem:v13+s14+$0x0], $0xffff  }
0x72: {  	v5 =	vadd.f32 v8, v5;
	v57 =	vld [tilespmem:s24+$0x0];
	v55 =	vmul.f32 v12, v3;
	v9 =	vsub.f32 v18, v9  }
0x73: {  	v3 =	vadd.f32 v3, v6;
	v56 =	vld.idx.msk [tilespmem:v14+s14+$0x0], $0xffff  }
0x74: {  	v5 =	vadd.f32 v55, v5;
	v9 =	vmul.f32 v9, v2;
	v58 =	vsub.f32 v52, v10  }
0x75: {  	v59 =	vld.idx.msk [tilespmem:v11+s15+$0x0], $0xffff;
	v2 =	vadd.f32 v2, v3  }
0x76: {  	v5 =	vadd.f32 v9, v5;
	v8 =	vmul.f32 v58, v4;
	v60 =	vsub.f32 v53, v13  }
0x77: {  	v2 =	vadd.f32 v4, v2  }
0x78: {  	v3 =	vadd.f32 v8, v5;
	v61 =	vmul.f32 v60, v54;
	v62 =	vsub.f32 v57, v56  }
0x79: {  	v2 =	vadd.f32 v54, v2  }
0x7a: {  	v3 =	vadd.f32 v61, v3;
	v63 =	vmul.f32 v62, v59  }
0x7b: {  	v2 =	vadd.f32 v59, v2  }
0x7c: {  	v3 =	vadd.f32 v63, v3  }
0x7d: {  	[tilespmem:$0xA680] =	vst v2  }
0x7e: {  	[tilespmem:$0xA600] =	vst v3  }
0x7f: {  	[hbm4b:s10+s2] =	stream.linear.scatter [tilespmem:s20], [sflag:$0x2], $0x80, $0x38;
	[tilespmem:$0xA700] =	vst v63  }
0x80: {  	s23 =	sadd.s32 $0x1, s23;
	_ =	swait.ge [sflag:s21], $0x80  }
0x81: {  	p0 =	sne.s32 s23, s12;
	[sflag:s21] =	ssyncset.done $0x0  }
.Ltmp2:
0x82: {  	[sflag:s21] =	ssyncadd.s32 $0xFFFFFF80;
	(pc) =	sbr.rel @p0 .LBB2_1-.Ltmp2, $4  }
0x83: {  	[hbm4b:s11+s2] =	stream.linear.scatter [tilespmem:s22], [sflag:$0x2], $0x80, $0x38;
	[tilespmem:$0xA700] =	vst v63  }
0x84: {  	_ =	swait.ge [sflag:s21], $0x80  }
0x85: {  	[sflag:s21] =	ssyncset.done $0x0  }
0x86: {  	[sflag:s21] =	ssyncadd.s32 $0xFFFFFF80  }
0x87: {  	_ =	sfence.sel $0x180000  }
0x88: {  	[bflag:$0x0] =	sbarrier.arrive $0xFFFF  }
0x89: {  	p0 =	sne.s32 s0, $0x0;
	_ =	strace $0x90000047  }
0x8a: {  	s0 =	sadd.s32 @!p0 $0x100000, s1;
	[bflag:$0x2] =	sbarrier.arrive $0xFFFF  }
0x8b: {  	[sflag:s0] =	ssyncadd.tile.s32 @!p0 $0x1;
	_ =	shalt  }
.Lfunc_end2:
_tile_overlayer_lowered:
.L_overlay_start_2:
0x8c: {  	(tag) =	ssettag $0x2  }
0x8d: {  	s0 =	rddreg [dreg:$0x0];
	s2 =	stileid.u32  }
0x8e: {  	s1 =	rddreg [dreg:$0x1];
	p0 =	sne.s32 s2, $0x0  }
0x8f: {  	s3 =	rddreg [dreg:$0x2];
	[bflag:$0x3] =	sbarrier.arrive $0xFFFF;
	s2 =	simm.s32 @!p0 $0x1C02  }
0x90: {  	[timem:s3], [sflag:s2] =	dma.local @!p0 [hbm:s0], s1  }
0x91: {  	s0 =	simm.s32 @!p0 $0x2  }
0x92: {  	_ =	swait.ge @!p0 [sflag:s0], s1  }
0x93: {  	s1 =	ssub.s32 @!p0 $0x0, s1;
	[sflag:s0] =	ssyncset.done @!p0 $0x0  }
0x94: {  	[sflag:s0] =	ssyncadd.s32 @!p0 s1  }
0x95: {  	[bflag:$0x3] =	sbarrier.arrive $0xFFFF  }
0x96: {  	_ =	shalt  }

</sc_bundles>
